<compile_context>
chip_gen: v7x
topology: tpu7x:2x2x1
jax: 0.10.2.dev20260603
libtpu: 0.0.44.dev20260713+nightly
codegen_flags: <defaults>
</compile_context>

<pallas_src>
import functools

import jax
import jax.numpy as jnp
from jax import lax
from jax.experimental import pallas as pl
from jax.experimental.pallas import tpu as pltpu
from jax.experimental.pallas import tpu_sc as plsc

VOCAB = 100000
DIM = 64
BATCH = 4096
HIST = 50
EPS = 1e-5

NC = 2
NS = 16
NW = NC * NS

B_PER_W = BATCH // NW
NB = 2

MAXNORM = 1.0 - EPS
MAXNORM2 = MAXNORM * MAXNORM


def _build():
    mesh = plsc.VectorSubcoreMesh(core_axis_name="c", subcore_axis_name="s")

    @functools.partial(
        pl.kernel,
        mesh=mesh,
        out_type=jax.ShapeDtypeStruct(
            (HIST, DIM // 8, BATCH // 128, 8, 128), jnp.float32
        ),
        scratch_types=[
            pltpu.VMEM((HIST, B_PER_W), jnp.int32),
            pltpu.VMEM((NB, B_PER_W, DIM), jnp.float32),
            pltpu.VMEM((NB, DIM // 8, 8, B_PER_W + 1), jnp.float32),
        ] + [pltpu.SemaphoreType.DMA] * 4,
        compiler_params=pltpu.CompilerParams(
            use_tc_tiling_on_sc=False, needs_layout_passes=False
        ),
    )
    def body(table_hbm, ext_hbm, out_hbm, idx_v, inb, outb, g0, g1, s0, s1):
        wid = lax.axis_index("s") * NC + lax.axis_index("c")
        b_base = wid * B_PER_W
        pltpu.sync_copy(ext_hbm.at[:, pl.ds(b_base, B_PER_W)], idx_v)
        gsems = [g0, g1]
        ssems = [s0, s1]

        lanes = lax.iota(jnp.int32, 16)
        perms = [lanes ^ shift for shift in (8, 4, 2, 1)]
        dvecs = [lanes + 16 * k for k in range(4)]
        tr_vecs = [lax.shift_right_logical(d, 3) for d in dvecs]
        rc_vecs = [lax.bitwise_and(d, jnp.int32(7)) for d in dvecs]

        def gather(h, b):
            return pltpu.make_async_copy(
                table_hbm.at[idx_v.at[h]], inb.at[b], gsems[b]
            )

        def scatter(h, b):
            return pltpu.make_async_copy(
                outb.at[b, :, :, pl.ds(0, B_PER_W)],
                out_hbm.at[h, :, wid, :, :],
                ssems[b],
            )

        for b in range(NB):
            gather(jnp.int32(b), b).start()

        def outer(g, carry):
            for b in range(NB):
                h = g * NB + b
                gather(h, b).wait()

                @pl.when(g > 0)
                def _():
                    scatter(jnp.int32(0), b).wait()

                src = inb.at[b]
                dst = outb.at[b]

                @plsc.parallel_loop(0, B_PER_W, unroll=4)
                def _(r):
                    v0 = src[r, pl.ds(0, 16)]
                    v1 = src[r, pl.ds(16, 16)]
                    v2 = src[r, pl.ds(32, 16)]
                    v3 = src[r, pl.ds(48, 16)]
                    x = v0 * v0 + v1 * v1 + v2 * v2 + v3 * v3
                    for p in perms:
                        x = x + x.at[p].get(mode="promise_in_bounds")
                    i = lax.bitcast_convert_type(x, jnp.int32)
                    i = jnp.int32(0x5F3759DF) - lax.shift_right_logical(i, 1)
                    y = lax.bitcast_convert_type(i, jnp.float32)
                    for _ in range(3):
                        y = y * (1.5 - 0.5 * x * y * y)
                    scale = jnp.where(
                        x > MAXNORM2,
                        MAXNORM * y,
                        jnp.full((16,), 1.0, dtype=jnp.float32),
                    )
                    col = jnp.full((16,), r, dtype=jnp.int32)
                    vs = [v0 * scale, v1 * scale, v2 * scale, v3 * scale]
                    for k in range(4):
                        plsc.store_scatter(
                            dst, [tr_vecs[k], rc_vecs[k], col], vs[k]
                        )

                scatter(h, b).start()

                @pl.when(h + NB < HIST)
                def _():
                    gather(h + NB, b).start()

            return carry

        lax.fori_loop(0, HIST // NB, outer, 0)
        for b in range(NB):
            scatter(jnp.int32(0), b).wait()

    return body


_sc_lookup = _build()


def kernel(examples, table):
    out5 = _sc_lookup(table, examples.T)
    return jnp.transpose(out5, (2, 4, 0, 1, 3)).reshape(BATCH, HIST, DIM)

# --- scband reference (transcript-rebuilt; emitter-appended) ---
"""Pipeline reference for scband-embeddings-86706799771992 (READ-ONLY COPY).

The authoritative reference and input builder live on the scoring server;
editing this copy changes nothing except your own understanding.
"""

import jax, jax.numpy as jnp
import numpy as np

VOCAB = 100000
DIM = 64
BATCH = 4096
HIST = 50
EPS = 1e-5


def _poincare_normalize(x, eps=EPS):
    # Project points onto the open unit (Poincare) ball: ||x|| < 1 - eps.
    norm = jnp.linalg.norm(x, axis=-1, keepdims=True)
    maxnorm = 1.0 - eps
    scale = jnp.where(norm > maxnorm, maxnorm / jnp.maximum(norm, 1e-12), 1.0)
    return x * scale


def setup_inputs(seed: int = 0) -> dict:
    key = jax.random.key(seed)
    k1, k2 = jax.random.split(key)
    examples = jax.random.randint(k1, (BATCH, HIST), 0, VOCAB, dtype=jnp.int32)
    # init scale chosen so a fraction of rows exceed unit norm -> normalization is active
    table = jax.random.normal(k2, (VOCAB, DIM), dtype=jnp.float32) * 0.2
    return {"examples": examples, "table": table}


def reference(examples, table):
    # nn.Embedding lookup
    embedded = jnp.take(table, examples, axis=0)  # [B, L, D]
    # manifold.normalize under torch.no_grad()
    embedded = _poincare_normalize(embedded)
    return embedded

if __name__ == "__main__":
    import jax
    _d = setup_inputs()
    print(jax.jit(kernel)(*tuple(_d.values())))

</pallas_src>

<mosaic_0001>
#map = affine_map<(d0, d1) -> (0, 0)>
#map1 = affine_map<(d0, d1) -> (0, 0, 0, 0, 0)>
module attributes {stable_mosaic.version = 14 : i64} {
  func.func @body(%arg0: i32, %arg1: i32, %arg2: memref<100000x64xf32, #tpu.memory_space<hbm>>, %arg3: memref<50x4096xi32, #tpu.memory_space<hbm>>, %arg4: memref<50x8x32x8x128xf32, #tpu.memory_space<hbm>>, %arg5: memref<50x128xi32, #tpu.memory_space<vmem>>, %arg6: memref<2x128x64xf32, #tpu.memory_space<vmem>>, %arg7: memref<2x8x8x129xf32, #tpu.memory_space<vmem>>, %arg8: memref<!tpu.dma_semaphore, #tpu.memory_space<semaphore_mem>>, %arg9: memref<!tpu.dma_semaphore, #tpu.memory_space<semaphore_mem>>, %arg10: memref<!tpu.dma_semaphore, #tpu.memory_space<semaphore_mem>>, %arg11: memref<!tpu.dma_semaphore, #tpu.memory_space<semaphore_mem>>) attributes {dimension_semantics = [#tpu.dimension_semantics<core_parallel>, #tpu.dimension_semantics<subcore_parallel>], iteration_bounds = array<i64: 2, 16>, scalar_prefetch = 0 : i64, scratch_operands = 7 : i64, tpu.core_type = #tpu.core_type<sc_vector_subcore>, window_params = [{transform_indices = #map}, {transform_indices = #map}, {transform_indices = #map1}]} {
    %mul3A = arith.constant 2 : i32
    %mul3A_0 = arith.muli %arg1, %mul3A : i32
    %add3A = arith.addi %mul3A_0, %arg0 : i32
    %mul3A_1 = arith.constant 128 : i32
    %mul3A_2 = arith.muli %add3A, %mul3A_1 : i32
    "tpu.region"() ({
      %run_scoped3A = tpu.sem_alloc : memref<!tpu.dma_semaphore, #tpu.memory_space<semaphore_mem>>
      %dma_start3A_119 = arith.constant 0 : i32
      %dma_start3A_120 = tpu.memref_slice %arg3[%dma_start3A_119, %mul3A_2] : memref<50x4096xi32, #tpu.memory_space<hbm>> -> memref<50x128xi32, #tpu.memory_space<hbm>>
      %dma_start3A_121 = arith.constant 0 : i32
      %dma_start3A_122 = tpu.memref_slice %arg3[%dma_start3A_121, %mul3A_2] : memref<50x4096xi32, #tpu.memory_space<hbm>> -> memref<50x128xi32, #tpu.memory_space<hbm>>
      tpu.enqueue_dma source(%dma_start3A_122 : memref<50x128xi32, #tpu.memory_space<hbm>>) target(%arg5 : memref<50x128xi32, #tpu.memory_space<vmem>>) target_semaphore(%run_scoped3A : memref<!tpu.dma_semaphore, #tpu.memory_space<semaphore_mem>>)
      %dma_wait3A_123 = arith.constant 0 : i32
      %dma_wait3A_124 = tpu.memref_slice %arg3[%dma_wait3A_123, %mul3A_2] : memref<50x4096xi32, #tpu.memory_space<hbm>> -> memref<50x128xi32, #tpu.memory_space<hbm>>
      %dma_wait3A_125 = arith.constant 0 : i32
      %dma_wait3A_126 = tpu.memref_slice %arg3[%dma_wait3A_125, %mul3A_2] : memref<50x4096xi32, #tpu.memory_space<hbm>> -> memref<50x128xi32, #tpu.memory_space<hbm>>
      tpu.wait_dma2 semaphore(%run_scoped3A : memref<!tpu.dma_semaphore, #tpu.memory_space<semaphore_mem>>) src(%dma_wait3A_126 : memref<50x128xi32, #tpu.memory_space<hbm>>) dst(%arg5 : memref<50x128xi32, #tpu.memory_space<vmem>>)
      tpu.yield
    }) : () -> ()
    %iota3A = tpu.iota {dimensions = array<i32: 0>} : vector<16xi32>
    %xor3A = arith.constant 8 : i32
    %xor3A_3 = vector.broadcast %xor3A : i32 to vector<16xi32>
    %xor3A_4 = arith.xori %iota3A, %xor3A_3 : vector<16xi32>
    %xor3A_5 = arith.constant 4 : i32
    %xor3A_6 = vector.broadcast %xor3A_5 : i32 to vector<16xi32>
    %xor3A_7 = arith.xori %iota3A, %xor3A_6 : vector<16xi32>
    %xor3A_8 = arith.constant 2 : i32
    %xor3A_9 = vector.broadcast %xor3A_8 : i32 to vector<16xi32>
    %xor3A_10 = arith.xori %iota3A, %xor3A_9 : vector<16xi32>
    %xor3A_11 = arith.constant 1 : i32
    %xor3A_12 = vector.broadcast %xor3A_11 : i32 to vector<16xi32>
    %xor3A_13 = arith.xori %iota3A, %xor3A_12 : vector<16xi32>
    %add3A_14 = arith.constant 0 : i32
    %add3A_15 = vector.broadcast %add3A_14 : i32 to vector<16xi32>
    %add3A_16 = arith.addi %iota3A, %add3A_15 : vector<16xi32>
    %add3A_17 = arith.constant 16 : i32
    %add3A_18 = vector.broadcast %add3A_17 : i32 to vector<16xi32>
    %add3A_19 = arith.addi %iota3A, %add3A_18 : vector<16xi32>
    %add3A_20 = arith.constant 32 : i32
    %add3A_21 = vector.broadcast %add3A_20 : i32 to vector<16xi32>
    %add3A_22 = arith.addi %iota3A, %add3A_21 : vector<16xi32>
    %add3A_23 = arith.constant 48 : i32
    %add3A_24 = vector.broadcast %add3A_23 : i32 to vector<16xi32>
    %add3A_25 = arith.addi %iota3A, %add3A_24 : vector<16xi32>
    %shift_right_logical3A = arith.constant 3 : i32
    %shift_right_logical3A_26 = vector.broadcast %shift_right_logical3A : i32 to vector<16xi32>
    %shift_right_logical3A_27 = arith.shrui %add3A_16, %shift_right_logical3A_26 : vector<16xi32>
    %shift_right_logical3A_28 = arith.constant 3 : i32
    %shift_right_logical3A_29 = vector.broadcast %shift_right_logical3A_28 : i32 to vector<16xi32>
    %shift_right_logical3A_30 = arith.shrui %add3A_19, %shift_right_logical3A_29 : vector<16xi32>
    %shift_right_logical3A_31 = arith.constant 3 : i32
    %shift_right_logical3A_32 = vector.broadcast %shift_right_logical3A_31 : i32 to vector<16xi32>
    %shift_right_logical3A_33 = arith.shrui %add3A_22, %shift_right_logical3A_32 : vector<16xi32>
    %shift_right_logical3A_34 = arith.constant 3 : i32
    %shift_right_logical3A_35 = vector.broadcast %shift_right_logical3A_34 : i32 to vector<16xi32>
    %shift_right_logical3A_36 = arith.shrui %add3A_25, %shift_right_logical3A_35 : vector<16xi32>
    %and3A = arith.constant 7 : i32
    %and3A_37 = vector.broadcast %and3A : i32 to vector<16xi32>
    %and3A_38 = arith.andi %add3A_16, %and3A_37 : vector<16xi32>
    %and3A_39 = arith.constant 7 : i32
    %and3A_40 = vector.broadcast %and3A_39 : i32 to vector<16xi32>
    %and3A_41 = arith.andi %add3A_19, %and3A_40 : vector<16xi32>
    %and3A_42 = arith.constant 7 : i32
    %and3A_43 = vector.broadcast %and3A_42 : i32 to vector<16xi32>
    %and3A_44 = arith.andi %add3A_22, %and3A_43 : vector<16xi32>
    %and3A_45 = arith.constant 7 : i32
    %and3A_46 = vector.broadcast %and3A_45 : i32 to vector<16xi32>
    %and3A_47 = arith.andi %add3A_25, %and3A_46 : vector<16xi32>
    %dma_start3A = arith.constant 0 : i32
    %dma_start3A_48 = arith.constant 0 : i32
    %dma_start3A_49 = arith.constant 0 : i32
    %dma_start3A_50 = arith.constant 0 : i32
    %dma_start3A_51 = tpu.memref_slice %arg6[%dma_start3A_48, %dma_start3A_49, %dma_start3A_50] : memref<2x128x64xf32, #tpu.memory_space<vmem>> -> memref<1x128x64xf32, #tpu.memory_space<vmem>>
    %dma_start3A_52 = tpu.memref_squeeze %dma_start3A_51 : memref<1x128x64xf32, #tpu.memory_space<vmem>> -> memref<128x64xf32, #tpu.memory_space<vmem>>
    %dma_start3A_53 = arith.constant 0 : i32
    %dma_start3A_54 = tpu.memref_slice %arg5[%dma_start3A, %dma_start3A_53] : memref<50x128xi32, #tpu.memory_space<vmem>> -> memref<1x128xi32, #tpu.memory_space<vmem>>
    %dma_start3A_55 = tpu.memref_squeeze %dma_start3A_54 : memref<1x128xi32, #tpu.memory_space<vmem>> -> memref<128xi32, #tpu.memory_space<vmem>>
    %dma_start3A_56 = arith.constant 0 : i32
    %dma_start3A_57 = arith.constant 0 : i32
    %dma_start3A_58 = tpu.memref_slice %arg2[%dma_start3A_56, %dma_start3A_57] : memref<100000x64xf32, #tpu.memory_space<hbm>> -> memref<100000x64xf32, #tpu.memory_space<hbm>>
    tpu.enqueue_indirect_dma source(%dma_start3A_58 : memref<100000x64xf32, #tpu.memory_space<hbm>>) target(%dma_start3A_52 : memref<128x64xf32, #tpu.memory_space<vmem>>) offsets(%dma_start3A_55 : memref<128xi32, #tpu.memory_space<vmem>>) semaphore(%arg8 : memref<!tpu.dma_semaphore, #tpu.memory_space<semaphore_mem>>)
    %dma_start3A_59 = arith.constant 1 : i32
    %dma_start3A_60 = arith.constant 1 : i32
    %dma_start3A_61 = arith.constant 0 : i32
    %dma_start3A_62 = arith.constant 0 : i32
    %dma_start3A_63 = tpu.memref_slice %arg6[%dma_start3A_60, %dma_start3A_61, %dma_start3A_62] : memref<2x128x64xf32, #tpu.memory_space<vmem>> -> memref<1x128x64xf32, #tpu.memory_space<vmem>>
    %dma_start3A_64 = tpu.memref_squeeze %dma_start3A_63 : memref<1x128x64xf32, #tpu.memory_space<vmem>> -> memref<128x64xf32, #tpu.memory_space<vmem>>
    %dma_start3A_65 = arith.constant 0 : i32
    %dma_start3A_66 = tpu.memref_slice %arg5[%dma_start3A_59, %dma_start3A_65] : memref<50x128xi32, #tpu.memory_space<vmem>> -> memref<1x128xi32, #tpu.memory_space<vmem>>
    %dma_start3A_67 = tpu.memref_squeeze %dma_start3A_66 : memref<1x128xi32, #tpu.memory_space<vmem>> -> memref<128xi32, #tpu.memory_space<vmem>>
    %dma_start3A_68 = arith.constant 0 : i32
    %dma_start3A_69 = arith.constant 0 : i32
    %dma_start3A_70 = tpu.memref_slice %arg2[%dma_start3A_68, %dma_start3A_69] : memref<100000x64xf32, #tpu.memory_space<hbm>> -> memref<100000x64xf32, #tpu.memory_space<hbm>>
    tpu.enqueue_indirect_dma source(%dma_start3A_70 : memref<100000x64xf32, #tpu.memory_space<hbm>>) target(%dma_start3A_64 : memref<128x64xf32, #tpu.memory_space<vmem>>) offsets(%dma_start3A_67 : memref<128xi32, #tpu.memory_space<vmem>>) semaphore(%arg9 : memref<!tpu.dma_semaphore, #tpu.memory_space<semaphore_mem>>)
    %scan3A = arith.constant 0 : i32
    %scan3A_71 = arith.constant 0 : i32
    %scan3A_72 = arith.constant 25 : i32
    %scan3A_73 = arith.addi %scan3A_71, %scan3A_72 : i32
    %scan3A_74 = arith.constant 1 : i32
    scf.for %scan3A_119 = %scan3A_71 to %scan3A_73 step %scan3A_74  : i32 {
      %mul3A_120 = arith.constant 2 : i32
      %mul3A_121 = arith.muli %scan3A_119, %mul3A_120 : i32
      %add3A_122 = arith.constant 0 : i32
      %add3A_123 = arith.addi %mul3A_121, %add3A_122 : i32
      %dma_wait3A_124 = arith.constant 0 : i32
      %dma_wait3A_125 = arith.constant 0 : i32
      %dma_wait3A_126 = arith.constant 0 : i32
      %dma_wait3A_127 = tpu.memref_slice %arg6[%dma_wait3A_124, %dma_wait3A_125, %dma_wait3A_126] : memref<2x128x64xf32, #tpu.memory_space<vmem>> -> memref<1x128x64xf32, #tpu.memory_space<vmem>>
      %dma_wait3A_128 = tpu.memref_squeeze %dma_wait3A_127 : memref<1x128x64xf32, #tpu.memory_space<vmem>> -> memref<128x64xf32, #tpu.memory_space<vmem>>
      %dma_wait3A_129 = arith.constant 0 : i32
      %dma_wait3A_130 = tpu.memref_slice %arg5[%add3A_123, %dma_wait3A_129] : memref<50x128xi32, #tpu.memory_space<vmem>> -> memref<1x128xi32, #tpu.memory_space<vmem>>
      %dma_wait3A_131 = tpu.memref_squeeze %dma_wait3A_130 : memref<1x128xi32, #tpu.memory_space<vmem>> -> memref<128xi32, #tpu.memory_space<vmem>>
      %dma_wait3A_132 = arith.constant 0 : i32
      %dma_wait3A_133 = arith.constant 0 : i32
      %dma_wait3A_134 = tpu.memref_slice %arg2[%dma_wait3A_132, %dma_wait3A_133] : memref<100000x64xf32, #tpu.memory_space<hbm>> -> memref<100000x64xf32, #tpu.memory_space<hbm>>
      tpu.wait_indirect_dma semaphore(%arg8 : memref<!tpu.dma_semaphore, #tpu.memory_space<semaphore_mem>>) src(%dma_wait3A_134 : memref<100000x64xf32, #tpu.memory_space<hbm>>) dst(%dma_wait3A_128 : memref<128x64xf32, #tpu.memory_space<vmem>>)
      %gt3A = arith.constant 0 : i32
      %gt3A_135 = arith.cmpi sgt, %scan3A_119, %gt3A : i32
      %convert_element_type3A = arith.extui %gt3A_135 : i1 to i32
      %cond3A = arith.constant 0 : i32
      %cond3A_136 = arith.cmpi ne, %convert_element_type3A, %cond3A : i32
      scf.if %cond3A_136 {
        %dma_wait3A_221 = arith.constant 0 : i32
        %dma_wait3A_222 = arith.constant 0 : i32
        %dma_wait3A_223 = arith.constant 0 : i32
        %dma_wait3A_224 = arith.constant 0 : i32
        %dma_wait3A_225 = arith.constant 0 : i32
        %dma_wait3A_226 = tpu.memref_slice %arg7[%dma_wait3A_221, %dma_wait3A_223, %dma_wait3A_224, %dma_wait3A_225] : memref<2x8x8x129xf32, #tpu.memory_space<vmem>> -> memref<1x8x8x128xf32, #tpu.memory_space<vmem>>
        %dma_wait3A_227 = tpu.memref_squeeze %dma_wait3A_226 : memref<1x8x8x128xf32, #tpu.memory_space<vmem>> -> memref<8x8x128xf32, #tpu.memory_space<vmem>>
        %dma_wait3A_228 = arith.constant 0 : i32
        %dma_wait3A_229 = arith.constant 0 : i32
        %dma_wait3A_230 = arith.constant 0 : i32
        %dma_wait3A_231 = tpu.memref_slice %arg4[%dma_wait3A_222, %dma_wait3A_228, %add3A, %dma_wait3A_229, %dma_wait3A_230] : memref<50x8x32x8x128xf32, #tpu.memory_space<hbm>> -> memref<1x8x1x8x128xf32, #tpu.memory_space<hbm>>
        %dma_wait3A_232 = tpu.memref_squeeze %dma_wait3A_231 : memref<1x8x1x8x128xf32, #tpu.memory_space<hbm>> -> memref<8x8x128xf32, #tpu.memory_space<hbm>>
        %dma_wait3A_233 = arith.constant 0 : i32
        %dma_wait3A_234 = arith.constant 0 : i32
        %dma_wait3A_235 = arith.constant 0 : i32
        %dma_wait3A_236 = tpu.memref_slice %arg4[%dma_wait3A_222, %dma_wait3A_233, %add3A, %dma_wait3A_234, %dma_wait3A_235] : memref<50x8x32x8x128xf32, #tpu.memory_space<hbm>> -> memref<1x8x1x8x128xf32, #tpu.memory_space<hbm>>
        %dma_wait3A_237 = tpu.memref_squeeze %dma_wait3A_236 : memref<1x8x1x8x128xf32, #tpu.memory_space<hbm>> -> memref<8x8x128xf32, #tpu.memory_space<hbm>>
        %dma_wait3A_238 = arith.constant 0 : i32
        %dma_wait3A_239 = arith.constant 0 : i32
        %dma_wait3A_240 = arith.constant 0 : i32
        %dma_wait3A_241 = tpu.memref_slice %arg7[%dma_wait3A_221, %dma_wait3A_238, %dma_wait3A_239, %dma_wait3A_240] : memref<2x8x8x129xf32, #tpu.memory_space<vmem>> -> memref<1x8x8x128xf32, #tpu.memory_space<vmem>>
        %dma_wait3A_242 = tpu.memref_squeeze %dma_wait3A_241 : memref<1x8x8x128xf32, #tpu.memory_space<vmem>> -> memref<8x8x128xf32, #tpu.memory_space<vmem>>
        tpu.wait_dma2 semaphore(%arg10 : memref<!tpu.dma_semaphore, #tpu.memory_space<semaphore_mem>>) src(%dma_wait3A_242 : memref<8x8x128xf32, #tpu.memory_space<vmem>>) dst(%dma_wait3A_237 : memref<8x8x128xf32, #tpu.memory_space<hbm>>)
      } else {
      }
      %parallel_loop3A = arith.constant 0 : i32
      %parallel_loop3A_137 = arith.constant 128 : i32
      %parallel_loop3A_138 = arith.constant 1 : i32
      %parallel_loop3A_139 = arith.constant 0 : i32
      %parallel_loop3A_140 = arith.constant 0 : i32
      scf.for %parallel_loop3A_221 = %parallel_loop3A to %parallel_loop3A_137 step %parallel_loop3A_138  : i32 {
        %parallel_loop3A_222 = arith.constant 0 : i32
        %parallel_loop3A_223 = arith.constant 0 : i32
        %parallel_loop3A_224 = tpu.memref_slice %arg6[%parallel_loop3A_139, %parallel_loop3A_222, %parallel_loop3A_223] : memref<2x128x64xf32, #tpu.memory_space<vmem>> -> memref<1x128x64xf32, #tpu.memory_space<vmem>>
        %parallel_loop3A_225 = tpu.memref_squeeze %parallel_loop3A_224 : memref<1x128x64xf32, #tpu.memory_space<vmem>> -> memref<128x64xf32, #tpu.memory_space<vmem>>
        %parallel_loop3A_226 = arith.index_cast %parallel_loop3A_221 : i32 to index
        %parallel_loop3A_227 = arith.constant 0 : index
        %parallel_loop3A_228 = tpu.vector_load %parallel_loop3A_225[%parallel_loop3A_226, %parallel_loop3A_227] {strides = array<i32>} : memref<128x64xf32, #tpu.memory_space<vmem>>, vector<16xf32>,
        %parallel_loop3A_229 = arith.constant 0 : i32
        %parallel_loop3A_230 = arith.constant 0 : i32
        %parallel_loop3A_231 = tpu.memref_slice %arg6[%parallel_loop3A_139, %parallel_loop3A_229, %parallel_loop3A_230] : memref<2x128x64xf32, #tpu.memory_space<vmem>> -> memref<1x128x64xf32, #tpu.memory_space<vmem>>
        %parallel_loop3A_232 = tpu.memref_squeeze %parallel_loop3A_231 : memref<1x128x64xf32, #tpu.memory_space<vmem>> -> memref<128x64xf32, #tpu.memory_space<vmem>>
        %parallel_loop3A_233 = arith.index_cast %parallel_loop3A_221 : i32 to index
        %parallel_loop3A_234 = arith.constant 16 : index
        %parallel_loop3A_235 = tpu.vector_load %parallel_loop3A_232[%parallel_loop3A_233, %parallel_loop3A_234] {strides = array<i32>} : memref<128x64xf32, #tpu.memory_space<vmem>>, vector<16xf32>,
        %parallel_loop3A_236 = arith.constant 0 : i32
        %parallel_loop3A_237 = arith.constant 0 : i32
        %parallel_loop3A_238 = tpu.memref_slice %arg6[%parallel_loop3A_139, %parallel_loop3A_236, %parallel_loop3A_237] : memref<2x128x64xf32, #tpu.memory_space<vmem>> -> memref<1x128x64xf32, #tpu.memory_space<vmem>>
        %parallel_loop3A_239 = tpu.memref_squeeze %parallel_loop3A_238 : memref<1x128x64xf32, #tpu.memory_space<vmem>> -> memref<128x64xf32, #tpu.memory_space<vmem>>
        %parallel_loop3A_240 = arith.index_cast %parallel_loop3A_221 : i32 to index
        %parallel_loop3A_241 = arith.constant 32 : index
        %parallel_loop3A_242 = tpu.vector_load %parallel_loop3A_239[%parallel_loop3A_240, %parallel_loop3A_241] {strides = array<i32>} : memref<128x64xf32, #tpu.memory_space<vmem>>, vector<16xf32>,
        %parallel_loop3A_243 = arith.constant 0 : i32
        %parallel_loop3A_244 = arith.constant 0 : i32
        %parallel_loop3A_245 = tpu.memref_slice %arg6[%parallel_loop3A_139, %parallel_loop3A_243, %parallel_loop3A_244] : memref<2x128x64xf32, #tpu.memory_space<vmem>> -> memref<1x128x64xf32, #tpu.memory_space<vmem>>
        %parallel_loop3A_246 = tpu.memref_squeeze %parallel_loop3A_245 : memref<1x128x64xf32, #tpu.memory_space<vmem>> -> memref<128x64xf32, #tpu.memory_space<vmem>>
        %parallel_loop3A_247 = arith.index_cast %parallel_loop3A_221 : i32 to index
        %parallel_loop3A_248 = arith.constant 48 : index
        %parallel_loop3A_249 = tpu.vector_load %parallel_loop3A_246[%parallel_loop3A_247, %parallel_loop3A_248] {strides = array<i32>} : memref<128x64xf32, #tpu.memory_space<vmem>>, vector<16xf32>,
        %parallel_loop3A_250 = arith.mulf %parallel_loop3A_228, %parallel_loop3A_228 : vector<16xf32>
        %parallel_loop3A_251 = arith.mulf %parallel_loop3A_235, %parallel_loop3A_235 : vector<16xf32>
        %parallel_loop3A_252 = arith.addf %parallel_loop3A_250, %parallel_loop3A_251 : vector<16xf32>
        %parallel_loop3A_253 = arith.mulf %parallel_loop3A_242, %parallel_loop3A_242 : vector<16xf32>
        %parallel_loop3A_254 = arith.addf %parallel_loop3A_252, %parallel_loop3A_253 : vector<16xf32>
        %parallel_loop3A_255 = arith.mulf %parallel_loop3A_249, %parallel_loop3A_249 : vector<16xf32>
        %parallel_loop3A_256 = arith.addf %parallel_loop3A_254, %parallel_loop3A_255 : vector<16xf32>
        %parallel_loop3A_257 = arith.constant 0 : i32
        %parallel_loop3A_258 = vector.broadcast %parallel_loop3A_257 : i32 to vector<16xi32>
        %parallel_loop3A_259 = arith.cmpi slt, %xor3A_4, %parallel_loop3A_258 : vector<16xi32>
        %parallel_loop3A_260 = arith.constant 16 : i32
        %parallel_loop3A_261 = vector.broadcast %parallel_loop3A_260 : i32 to vector<16xi32>
        %parallel_loop3A_262 = arith.addi %xor3A_4, %parallel_loop3A_261 : vector<16xi32>
        %parallel_loop3A_263 = arith.select %parallel_loop3A_259, %parallel_loop3A_262, %xor3A_4 : vector<16xi1>, vector<16xi32>
        %parallel_loop3A_264 = vector.shape_cast %parallel_loop3A_263 : vector<16xi32> to vector<16x1xi32>
        %parallel_loop3A_265 = vector.shape_cast %parallel_loop3A_264 : vector<16x1xi32> to vector<16xi32>
        %parallel_loop3A_266 = tpu.dynamic_gather %parallel_loop3A_256[%parallel_loop3A_265] in [0] : vector<16xf32>, vector<16xi32> -> vector<16xf32>
        %parallel_loop3A_267 = arith.addf %parallel_loop3A_256, %parallel_loop3A_266 : vector<16xf32>
        %parallel_loop3A_268 = arith.constant 0 : i32
        %parallel_loop3A_269 = vector.broadcast %parallel_loop3A_268 : i32 to vector<16xi32>
        %parallel_loop3A_270 = arith.cmpi slt, %xor3A_7, %parallel_loop3A_269 : vector<16xi32>
        %parallel_loop3A_271 = arith.constant 16 : i32
        %parallel_loop3A_272 = vector.broadcast %parallel_loop3A_271 : i32 to vector<16xi32>
        %parallel_loop3A_273 = arith.addi %xor3A_7, %parallel_loop3A_272 : vector<16xi32>
        %parallel_loop3A_274 = arith.select %parallel_loop3A_270, %parallel_loop3A_273, %xor3A_7 : vector<16xi1>, vector<16xi32>
        %parallel_loop3A_275 = vector.shape_cast %parallel_loop3A_274 : vector<16xi32> to vector<16x1xi32>
        %parallel_loop3A_276 = vector.shape_cast %parallel_loop3A_275 : vector<16x1xi32> to vector<16xi32>
        %parallel_loop3A_277 = tpu.dynamic_gather %parallel_loop3A_267[%parallel_loop3A_276] in [0] : vector<16xf32>, vector<16xi32> -> vector<16xf32>
        %parallel_loop3A_278 = arith.addf %parallel_loop3A_267, %parallel_loop3A_277 : vector<16xf32>
        %parallel_loop3A_279 = arith.constant 0 : i32
        %parallel_loop3A_280 = vector.broadcast %parallel_loop3A_279 : i32 to vector<16xi32>
        %parallel_loop3A_281 = arith.cmpi slt, %xor3A_10, %parallel_loop3A_280 : vector<16xi32>
        %parallel_loop3A_282 = arith.constant 16 : i32
        %parallel_loop3A_283 = vector.broadcast %parallel_loop3A_282 : i32 to vector<16xi32>
        %parallel_loop3A_284 = arith.addi %xor3A_10, %parallel_loop3A_283 : vector<16xi32>
        %parallel_loop3A_285 = arith.select %parallel_loop3A_281, %parallel_loop3A_284, %xor3A_10 : vector<16xi1>, vector<16xi32>
        %parallel_loop3A_286 = vector.shape_cast %parallel_loop3A_285 : vector<16xi32> to vector<16x1xi32>
        %parallel_loop3A_287 = vector.shape_cast %parallel_loop3A_286 : vector<16x1xi32> to vector<16xi32>
        %parallel_loop3A_288 = tpu.dynamic_gather %parallel_loop3A_278[%parallel_loop3A_287] in [0] : vector<16xf32>, vector<16xi32> -> vector<16xf32>
        %parallel_loop3A_289 = arith.addf %parallel_loop3A_278, %parallel_loop3A_288 : vector<16xf32>
        %parallel_loop3A_290 = arith.constant 0 : i32
        %parallel_loop3A_291 = vector.broadcast %parallel_loop3A_290 : i32 to vector<16xi32>
        %parallel_loop3A_292 = arith.cmpi slt, %xor3A_13, %parallel_loop3A_291 : vector<16xi32>
        %parallel_loop3A_293 = arith.constant 16 : i32
        %parallel_loop3A_294 = vector.broadcast %parallel_loop3A_293 : i32 to vector<16xi32>
        %parallel_loop3A_295 = arith.addi %xor3A_13, %parallel_loop3A_294 : vector<16xi32>
        %parallel_loop3A_296 = arith.select %parallel_loop3A_292, %parallel_loop3A_295, %xor3A_13 : vector<16xi1>, vector<16xi32>
        %parallel_loop3A_297 = vector.shape_cast %parallel_loop3A_296 : vector<16xi32> to vector<16x1xi32>
        %parallel_loop3A_298 = vector.shape_cast %parallel_loop3A_297 : vector<16x1xi32> to vector<16xi32>
        %parallel_loop3A_299 = tpu.dynamic_gather %parallel_loop3A_289[%parallel_loop3A_298] in [0] : vector<16xf32>, vector<16xi32> -> vector<16xf32>
        %parallel_loop3A_300 = arith.addf %parallel_loop3A_289, %parallel_loop3A_299 : vector<16xf32>
        %parallel_loop3A_301 = tpu.bitcast %parallel_loop3A_300 : vector<16xf32> -> vector<16xi32>
        %parallel_loop3A_302 = arith.constant 1 : i32
        %parallel_loop3A_303 = vector.broadcast %parallel_loop3A_302 : i32 to vector<16xi32>
        %parallel_loop3A_304 = arith.shrui %parallel_loop3A_301, %parallel_loop3A_303 : vector<16xi32>
        %parallel_loop3A_305 = arith.constant 1597463007 : i32
        %parallel_loop3A_306 = vector.broadcast %parallel_loop3A_305 : i32 to vector<16xi32>
        %parallel_loop3A_307 = arith.subi %parallel_loop3A_306, %parallel_loop3A_304 : vector<16xi32>
        %parallel_loop3A_308 = tpu.bitcast %parallel_loop3A_307 : vector<16xi32> -> vector<16xf32>
        %parallel_loop3A_309 = arith.constant 5.000000e-01 : f32
        %parallel_loop3A_310 = vector.broadcast %parallel_loop3A_309 : f32 to vector<16xf32>
        %parallel_loop3A_311 = arith.mulf %parallel_loop3A_310, %parallel_loop3A_300 : vector<16xf32>
        %parallel_loop3A_312 = arith.mulf %parallel_loop3A_311, %parallel_loop3A_308 : vector<16xf32>
        %parallel_loop3A_313 = arith.mulf %parallel_loop3A_312, %parallel_loop3A_308 : vector<16xf32>
        %parallel_loop3A_314 = arith.constant 1.500000e+00 : f32
        %parallel_loop3A_315 = vector.broadcast %parallel_loop3A_314 : f32 to vector<16xf32>
        %parallel_loop3A_316 = arith.subf %parallel_loop3A_315, %parallel_loop3A_313 : vector<16xf32>
        %parallel_loop3A_317 = arith.mulf %parallel_loop3A_308, %parallel_loop3A_316 : vector<16xf32>
        %parallel_loop3A_318 = arith.constant 5.000000e-01 : f32
        %parallel_loop3A_319 = vector.broadcast %parallel_loop3A_318 : f32 to vector<16xf32>
        %parallel_loop3A_320 = arith.mulf %parallel_loop3A_319, %parallel_loop3A_300 : vector<16xf32>
        %parallel_loop3A_321 = arith.mulf %parallel_loop3A_320, %parallel_loop3A_317 : vector<16xf32>
        %parallel_loop3A_322 = arith.mulf %parallel_loop3A_321, %parallel_loop3A_317 : vector<16xf32>
        %parallel_loop3A_323 = arith.constant 1.500000e+00 : f32
        %parallel_loop3A_324 = vector.broadcast %parallel_loop3A_323 : f32 to vector<16xf32>
        %parallel_loop3A_325 = arith.subf %parallel_loop3A_324, %parallel_loop3A_322 : vector<16xf32>
        %parallel_loop3A_326 = arith.mulf %parallel_loop3A_317, %parallel_loop3A_325 : vector<16xf32>
        %parallel_loop3A_327 = arith.constant 5.000000e-01 : f32
        %parallel_loop3A_328 = vector.broadcast %parallel_loop3A_327 : f32 to vector<16xf32>
        %parallel_loop3A_329 = arith.mulf %parallel_loop3A_328, %parallel_loop3A_300 : vector<16xf32>
        %parallel_loop3A_330 = arith.mulf %parallel_loop3A_329, %parallel_loop3A_326 : vector<16xf32>
        %parallel_loop3A_331 = arith.mulf %parallel_loop3A_330, %parallel_loop3A_326 : vector<16xf32>
        %parallel_loop3A_332 = arith.constant 1.500000e+00 : f32
        %parallel_loop3A_333 = vector.broadcast %parallel_loop3A_332 : f32 to vector<16xf32>
        %parallel_loop3A_334 = arith.subf %parallel_loop3A_333, %parallel_loop3A_331 : vector<16xf32>
        %parallel_loop3A_335 = arith.mulf %parallel_loop3A_326, %parallel_loop3A_334 : vector<16xf32>
        %parallel_loop3A_336 = arith.constant 0.999979972 : f32
        %parallel_loop3A_337 = vector.broadcast %parallel_loop3A_336 : f32 to vector<16xf32>
        %parallel_loop3A_338 = arith.cmpf ogt, %parallel_loop3A_300, %parallel_loop3A_337 : vector<16xf32>
        %parallel_loop3A_339 = arith.constant 0.999989986 : f32
        %parallel_loop3A_340 = vector.broadcast %parallel_loop3A_339 : f32 to vector<16xf32>
        %parallel_loop3A_341 = arith.mulf %parallel_loop3A_340, %parallel_loop3A_335 : vector<16xf32>
        %parallel_loop3A_342 = arith.constant 1.000000e+00 : f32
        %parallel_loop3A_343 = vector.broadcast %parallel_loop3A_342 : f32 to vector<16xf32>
        %parallel_loop3A_344 = arith.select %parallel_loop3A_338, %parallel_loop3A_341, %parallel_loop3A_343 : vector<16xi1>, vector<16xf32>
        %parallel_loop3A_345 = vector.broadcast %parallel_loop3A_221 : i32 to vector<16xi32>
        %parallel_loop3A_346 = arith.mulf %parallel_loop3A_228, %parallel_loop3A_344 : vector<16xf32>
        %parallel_loop3A_347 = arith.mulf %parallel_loop3A_235, %parallel_loop3A_344 : vector<16xf32>
        %parallel_loop3A_348 = arith.mulf %parallel_loop3A_242, %parallel_loop3A_344 : vector<16xf32>
        %parallel_loop3A_349 = arith.mulf %parallel_loop3A_249, %parallel_loop3A_344 : vector<16xf32>
        %parallel_loop3A_350 = arith.constant 0 : i32
        %parallel_loop3A_351 = arith.constant 0 : i32
        %parallel_loop3A_352 = arith.constant 0 : i32
        %parallel_loop3A_353 = tpu.memref_slice %arg7[%parallel_loop3A_140, %parallel_loop3A_350, %parallel_loop3A_351, %parallel_loop3A_352] : memref<2x8x8x129xf32, #tpu.memory_space<vmem>> -> memref<1x8x8x129xf32, #tpu.memory_space<vmem>>
        %parallel_loop3A_354 = tpu.memref_squeeze %parallel_loop3A_353 : memref<1x8x8x129xf32, #tpu.memory_space<vmem>> -> memref<8x8x129xf32, #tpu.memory_space<vmem>>
        tpu.vector_store_idx %parallel_loop3A_354[%shift_right_logical3A_27, %and3A_38, %parallel_loop3A_345], %parallel_loop3A_346 : memref<8x8x129xf32, #tpu.memory_space<vmem>>[vector<16xi32>, vector<16xi32>, vector<16xi32>], vector<16xf32>,
        %parallel_loop3A_355 = arith.constant 0 : i32
        %parallel_loop3A_356 = arith.constant 0 : i32
        %parallel_loop3A_357 = arith.constant 0 : i32
        %parallel_loop3A_358 = tpu.memref_slice %arg7[%parallel_loop3A_140, %parallel_loop3A_355, %parallel_loop3A_356, %parallel_loop3A_357] : memref<2x8x8x129xf32, #tpu.memory_space<vmem>> -> memref<1x8x8x129xf32, #tpu.memory_space<vmem>>
        %parallel_loop3A_359 = tpu.memref_squeeze %parallel_loop3A_358 : memref<1x8x8x129xf32, #tpu.memory_space<vmem>> -> memref<8x8x129xf32, #tpu.memory_space<vmem>>
        tpu.vector_store_idx %parallel_loop3A_359[%shift_right_logical3A_30, %and3A_41, %parallel_loop3A_345], %parallel_loop3A_347 : memref<8x8x129xf32, #tpu.memory_space<vmem>>[vector<16xi32>, vector<16xi32>, vector<16xi32>], vector<16xf32>,
        %parallel_loop3A_360 = arith.constant 0 : i32
        %parallel_loop3A_361 = arith.constant 0 : i32
        %parallel_loop3A_362 = arith.constant 0 : i32
        %parallel_loop3A_363 = tpu.memref_slice %arg7[%parallel_loop3A_140, %parallel_loop3A_360, %parallel_loop3A_361, %parallel_loop3A_362] : memref<2x8x8x129xf32, #tpu.memory_space<vmem>> -> memref<1x8x8x129xf32, #tpu.memory_space<vmem>>
        %parallel_loop3A_364 = tpu.memref_squeeze %parallel_loop3A_363 : memref<1x8x8x129xf32, #tpu.memory_space<vmem>> -> memref<8x8x129xf32, #tpu.memory_space<vmem>>
        tpu.vector_store_idx %parallel_loop3A_364[%shift_right_logical3A_33, %and3A_44, %parallel_loop3A_345], %parallel_loop3A_348 : memref<8x8x129xf32, #tpu.memory_space<vmem>>[vector<16xi32>, vector<16xi32>, vector<16xi32>], vector<16xf32>,
        %parallel_loop3A_365 = arith.constant 0 : i32
        %parallel_loop3A_366 = arith.constant 0 : i32
        %parallel_loop3A_367 = arith.constant 0 : i32
        %parallel_loop3A_368 = tpu.memref_slice %arg7[%parallel_loop3A_140, %parallel_loop3A_365, %parallel_loop3A_366, %parallel_loop3A_367] : memref<2x8x8x129xf32, #tpu.memory_space<vmem>> -> memref<1x8x8x129xf32, #tpu.memory_space<vmem>>
        %parallel_loop3A_369 = tpu.memref_squeeze %parallel_loop3A_368 : memref<1x8x8x129xf32, #tpu.memory_space<vmem>> -> memref<8x8x129xf32, #tpu.memory_space<vmem>>
        tpu.vector_store_idx %parallel_loop3A_369[%shift_right_logical3A_36, %and3A_47, %parallel_loop3A_345], %parallel_loop3A_349 : memref<8x8x129xf32, #tpu.memory_space<vmem>>[vector<16xi32>, vector<16xi32>, vector<16xi32>], vector<16xf32>,
      } {sc.loop_unroll_factor = 4 : i64, sc.parallel_access}
      %dma_start3A_141 = arith.constant 0 : i32
      %dma_start3A_142 = arith.constant 0 : i32
      %dma_start3A_143 = arith.constant 0 : i32
      %dma_start3A_144 = arith.constant 0 : i32
      %dma_start3A_145 = tpu.memref_slice %arg7[%dma_start3A_141, %dma_start3A_142, %dma_start3A_143, %dma_start3A_144] : memref<2x8x8x129xf32, #tpu.memory_space<vmem>> -> memref<1x8x8x128xf32, #tpu.memory_space<vmem>>
      %dma_start3A_146 = tpu.memref_squeeze %dma_start3A_145 : memref<1x8x8x128xf32, #tpu.memory_space<vmem>> -> memref<8x8x128xf32, #tpu.memory_space<vmem>>
      %dma_start3A_147 = arith.constant 0 : i32
      %dma_start3A_148 = arith.constant 0 : i32
      %dma_start3A_149 = arith.constant 0 : i32
      %dma_start3A_150 = tpu.memref_slice %arg4[%add3A_123, %dma_start3A_147, %add3A, %dma_start3A_148, %dma_start3A_149] : memref<50x8x32x8x128xf32, #tpu.memory_space<hbm>> -> memref<1x8x1x8x128xf32, #tpu.memory_space<hbm>>
      %dma_start3A_151 = tpu.memref_squeeze %dma_start3A_150 : memref<1x8x1x8x128xf32, #tpu.memory_space<hbm>> -> memref<8x8x128xf32, #tpu.memory_space<hbm>>
      %dma_start3A_152 = arith.constant 0 : i32
      %dma_start3A_153 = arith.constant 0 : i32
      %dma_start3A_154 = arith.constant 0 : i32
      %dma_start3A_155 = tpu.memref_slice %arg4[%add3A_123, %dma_start3A_152, %add3A, %dma_start3A_153, %dma_start3A_154] : memref<50x8x32x8x128xf32, #tpu.memory_space<hbm>> -> memref<1x8x1x8x128xf32, #tpu.memory_space<hbm>>
      %dma_start3A_156 = tpu.memref_squeeze %dma_start3A_155 : memref<1x8x1x8x128xf32, #tpu.memory_space<hbm>> -> memref<8x8x128xf32, #tpu.memory_space<hbm>>
      %dma_start3A_157 = arith.constant 0 : i32
      %dma_start3A_158 = arith.constant 0 : i32
      %dma_start3A_159 = arith.constant 0 : i32
      %dma_start3A_160 = tpu.memref_slice %arg7[%dma_start3A_141, %dma_start3A_157, %dma_start3A_158, %dma_start3A_159] : memref<2x8x8x129xf32, #tpu.memory_space<vmem>> -> memref<1x8x8x128xf32, #tpu.memory_space<vmem>>
      %dma_start3A_161 = tpu.memref_squeeze %dma_start3A_160 : memref<1x8x8x128xf32, #tpu.memory_space<vmem>> -> memref<8x8x128xf32, #tpu.memory_space<vmem>>
      tpu.enqueue_dma source(%dma_start3A_161 : memref<8x8x128xf32, #tpu.memory_space<vmem>>) target(%dma_start3A_156 : memref<8x8x128xf32, #tpu.memory_space<hbm>>) target_semaphore(%arg10 : memref<!tpu.dma_semaphore, #tpu.memory_space<semaphore_mem>>)
      %add3A_162 = arith.constant 2 : i32
      %add3A_163 = arith.addi %add3A_123, %add3A_162 : i32
      %lt3A = arith.constant 50 : i32
      %lt3A_164 = arith.cmpi slt, %add3A_163, %lt3A : i32
      %convert_element_type3A_165 = arith.extui %lt3A_164 : i1 to i32
      %cond3A_166 = arith.constant 0 : i32
      %cond3A_167 = arith.cmpi ne, %convert_element_type3A_165, %cond3A_166 : i32
      scf.if %cond3A_167 {
        %add3A_221 = arith.constant 2 : i32
        %add3A_222 = arith.addi %add3A_123, %add3A_221 : i32
        %dma_start3A_223 = arith.constant 0 : i32
        %dma_start3A_224 = arith.constant 0 : i32
        %dma_start3A_225 = arith.constant 0 : i32
        %dma_start3A_226 = tpu.memref_slice %arg6[%dma_start3A_223, %dma_start3A_224, %dma_start3A_225] : memref<2x128x64xf32, #tpu.memory_space<vmem>> -> memref<1x128x64xf32, #tpu.memory_space<vmem>>
        %dma_start3A_227 = tpu.memref_squeeze %dma_start3A_226 : memref<1x128x64xf32, #tpu.memory_space<vmem>> -> memref<128x64xf32, #tpu.memory_space<vmem>>
        %dma_start3A_228 = arith.constant 0 : i32
        %dma_start3A_229 = tpu.memref_slice %arg5[%add3A_222, %dma_start3A_228] : memref<50x128xi32, #tpu.memory_space<vmem>> -> memref<1x128xi32, #tpu.memory_space<vmem>>
        %dma_start3A_230 = tpu.memref_squeeze %dma_start3A_229 : memref<1x128xi32, #tpu.memory_space<vmem>> -> memref<128xi32, #tpu.memory_space<vmem>>
        %dma_start3A_231 = arith.constant 0 : i32
        %dma_start3A_232 = arith.constant 0 : i32
        %dma_start3A_233 = tpu.memref_slice %arg2[%dma_start3A_231, %dma_start3A_232] : memref<100000x64xf32, #tpu.memory_space<hbm>> -> memref<100000x64xf32, #tpu.memory_space<hbm>>
        tpu.enqueue_indirect_dma source(%dma_start3A_233 : memref<100000x64xf32, #tpu.memory_space<hbm>>) target(%dma_start3A_227 : memref<128x64xf32, #tpu.memory_space<vmem>>) offsets(%dma_start3A_230 : memref<128xi32, #tpu.memory_space<vmem>>) semaphore(%arg8 : memref<!tpu.dma_semaphore, #tpu.memory_space<semaphore_mem>>)
      } else {
      }
      %mul3A_168 = arith.constant 2 : i32
      %mul3A_169 = arith.muli %scan3A_119, %mul3A_168 : i32
      %add3A_170 = arith.constant 1 : i32
      %add3A_171 = arith.addi %mul3A_169, %add3A_170 : i32
      %dma_wait3A_172 = arith.constant 1 : i32
      %dma_wait3A_173 = arith.constant 0 : i32
      %dma_wait3A_174 = arith.constant 0 : i32
      %dma_wait3A_175 = tpu.memref_slice %arg6[%dma_wait3A_172, %dma_wait3A_173, %dma_wait3A_174] : memref<2x128x64xf32, #tpu.memory_space<vmem>> -> memref<1x128x64xf32, #tpu.memory_space<vmem>>
      %dma_wait3A_176 = tpu.memref_squeeze %dma_wait3A_175 : memref<1x128x64xf32, #tpu.memory_space<vmem>> -> memref<128x64xf32, #tpu.memory_space<vmem>>
      %dma_wait3A_177 = arith.constant 0 : i32
      %dma_wait3A_178 = tpu.memref_slice %arg5[%add3A_171, %dma_wait3A_177] : memref<50x128xi32, #tpu.memory_space<vmem>> -> memref<1x128xi32, #tpu.memory_space<vmem>>
      %dma_wait3A_179 = tpu.memref_squeeze %dma_wait3A_178 : memref<1x128xi32, #tpu.memory_space<vmem>> -> memref<128xi32, #tpu.memory_space<vmem>>
      %dma_wait3A_180 = arith.constant 0 : i32
      %dma_wait3A_181 = arith.constant 0 : i32
      %dma_wait3A_182 = tpu.memref_slice %arg2[%dma_wait3A_180, %dma_wait3A_181] : memref<100000x64xf32, #tpu.memory_space<hbm>> -> memref<100000x64xf32, #tpu.memory_space<hbm>>
      tpu.wait_indirect_dma semaphore(%arg9 : memref<!tpu.dma_semaphore, #tpu.memory_space<semaphore_mem>>) src(%dma_wait3A_182 : memref<100000x64xf32, #tpu.memory_space<hbm>>) dst(%dma_wait3A_176 : memref<128x64xf32, #tpu.memory_space<vmem>>)
      %gt3A_183 = arith.constant 0 : i32
      %gt3A_184 = arith.cmpi sgt, %scan3A_119, %gt3A_183 : i32
      %convert_element_type3A_185 = arith.extui %gt3A_184 : i1 to i32
      %cond3A_186 = arith.constant 0 : i32
      %cond3A_187 = arith.cmpi ne, %convert_element_type3A_185, %cond3A_186 : i32
      scf.if %cond3A_187 {
        %dma_wait3A_221 = arith.constant 1 : i32
        %dma_wait3A_222 = arith.constant 0 : i32
        %dma_wait3A_223 = arith.constant 0 : i32
        %dma_wait3A_224 = arith.constant 0 : i32
        %dma_wait3A_225 = arith.constant 0 : i32
        %dma_wait3A_226 = tpu.memref_slice %arg7[%dma_wait3A_221, %dma_wait3A_223, %dma_wait3A_224, %dma_wait3A_225] : memref<2x8x8x129xf32, #tpu.memory_space<vmem>> -> memref<1x8x8x128xf32, #tpu.memory_space<vmem>>
        %dma_wait3A_227 = tpu.memref_squeeze %dma_wait3A_226 : memref<1x8x8x128xf32, #tpu.memory_space<vmem>> -> memref<8x8x128xf32, #tpu.memory_space<vmem>>
        %dma_wait3A_228 = arith.constant 0 : i32
        %dma_wait3A_229 = arith.constant 0 : i32
        %dma_wait3A_230 = arith.constant 0 : i32
        %dma_wait3A_231 = tpu.memref_slice %arg4[%dma_wait3A_222, %dma_wait3A_228, %add3A, %dma_wait3A_229, %dma_wait3A_230] : memref<50x8x32x8x128xf32, #tpu.memory_space<hbm>> -> memref<1x8x1x8x128xf32, #tpu.memory_space<hbm>>
        %dma_wait3A_232 = tpu.memref_squeeze %dma_wait3A_231 : memref<1x8x1x8x128xf32, #tpu.memory_space<hbm>> -> memref<8x8x128xf32, #tpu.memory_space<hbm>>
        %dma_wait3A_233 = arith.constant 0 : i32
        %dma_wait3A_234 = arith.constant 0 : i32
        %dma_wait3A_235 = arith.constant 0 : i32
        %dma_wait3A_236 = tpu.memref_slice %arg4[%dma_wait3A_222, %dma_wait3A_233, %add3A, %dma_wait3A_234, %dma_wait3A_235] : memref<50x8x32x8x128xf32, #tpu.memory_space<hbm>> -> memref<1x8x1x8x128xf32, #tpu.memory_space<hbm>>
        %dma_wait3A_237 = tpu.memref_squeeze %dma_wait3A_236 : memref<1x8x1x8x128xf32, #tpu.memory_space<hbm>> -> memref<8x8x128xf32, #tpu.memory_space<hbm>>
        %dma_wait3A_238 = arith.constant 0 : i32
        %dma_wait3A_239 = arith.constant 0 : i32
        %dma_wait3A_240 = arith.constant 0 : i32
        %dma_wait3A_241 = tpu.memref_slice %arg7[%dma_wait3A_221, %dma_wait3A_238, %dma_wait3A_239, %dma_wait3A_240] : memref<2x8x8x129xf32, #tpu.memory_space<vmem>> -> memref<1x8x8x128xf32, #tpu.memory_space<vmem>>
        %dma_wait3A_242 = tpu.memref_squeeze %dma_wait3A_241 : memref<1x8x8x128xf32, #tpu.memory_space<vmem>> -> memref<8x8x128xf32, #tpu.memory_space<vmem>>
        tpu.wait_dma2 semaphore(%arg11 : memref<!tpu.dma_semaphore, #tpu.memory_space<semaphore_mem>>) src(%dma_wait3A_242 : memref<8x8x128xf32, #tpu.memory_space<vmem>>) dst(%dma_wait3A_237 : memref<8x8x128xf32, #tpu.memory_space<hbm>>)
      } else {
      }
      %parallel_loop3A_188 = arith.constant 0 : i32
      %parallel_loop3A_189 = arith.constant 128 : i32
      %parallel_loop3A_190 = arith.constant 1 : i32
      %parallel_loop3A_191 = arith.constant 1 : i32
      %parallel_loop3A_192 = arith.constant 1 : i32
      scf.for %parallel_loop3A_221 = %parallel_loop3A_188 to %parallel_loop3A_189 step %parallel_loop3A_190  : i32 {
        %parallel_loop3A_222 = arith.constant 0 : i32
        %parallel_loop3A_223 = arith.constant 0 : i32
        %parallel_loop3A_224 = tpu.memref_slice %arg6[%parallel_loop3A_191, %parallel_loop3A_222, %parallel_loop3A_223] : memref<2x128x64xf32, #tpu.memory_space<vmem>> -> memref<1x128x64xf32, #tpu.memory_space<vmem>>
        %parallel_loop3A_225 = tpu.memref_squeeze %parallel_loop3A_224 : memref<1x128x64xf32, #tpu.memory_space<vmem>> -> memref<128x64xf32, #tpu.memory_space<vmem>>
        %parallel_loop3A_226 = arith.index_cast %parallel_loop3A_221 : i32 to index
        %parallel_loop3A_227 = arith.constant 0 : index
        %parallel_loop3A_228 = tpu.vector_load %parallel_loop3A_225[%parallel_loop3A_226, %parallel_loop3A_227] {strides = array<i32>} : memref<128x64xf32, #tpu.memory_space<vmem>>, vector<16xf32>,
        %parallel_loop3A_229 = arith.constant 0 : i32
        %parallel_loop3A_230 = arith.constant 0 : i32
        %parallel_loop3A_231 = tpu.memref_slice %arg6[%parallel_loop3A_191, %parallel_loop3A_229, %parallel_loop3A_230] : memref<2x128x64xf32, #tpu.memory_space<vmem>> -> memref<1x128x64xf32, #tpu.memory_space<vmem>>
        %parallel_loop3A_232 = tpu.memref_squeeze %parallel_loop3A_231 : memref<1x128x64xf32, #tpu.memory_space<vmem>> -> memref<128x64xf32, #tpu.memory_space<vmem>>
        %parallel_loop3A_233 = arith.index_cast %parallel_loop3A_221 : i32 to index
        %parallel_loop3A_234 = arith.constant 16 : index
        %parallel_loop3A_235 = tpu.vector_load %parallel_loop3A_232[%parallel_loop3A_233, %parallel_loop3A_234] {strides = array<i32>} : memref<128x64xf32, #tpu.memory_space<vmem>>, vector<16xf32>,
        %parallel_loop3A_236 = arith.constant 0 : i32
        %parallel_loop3A_237 = arith.constant 0 : i32
        %parallel_loop3A_238 = tpu.memref_slice %arg6[%parallel_loop3A_191, %parallel_loop3A_236, %parallel_loop3A_237] : memref<2x128x64xf32, #tpu.memory_space<vmem>> -> memref<1x128x64xf32, #tpu.memory_space<vmem>>
        %parallel_loop3A_239 = tpu.memref_squeeze %parallel_loop3A_238 : memref<1x128x64xf32, #tpu.memory_space<vmem>> -> memref<128x64xf32, #tpu.memory_space<vmem>>
        %parallel_loop3A_240 = arith.index_cast %parallel_loop3A_221 : i32 to index
        %parallel_loop3A_241 = arith.constant 32 : index
        %parallel_loop3A_242 = tpu.vector_load %parallel_loop3A_239[%parallel_loop3A_240, %parallel_loop3A_241] {strides = array<i32>} : memref<128x64xf32, #tpu.memory_space<vmem>>, vector<16xf32>,
        %parallel_loop3A_243 = arith.constant 0 : i32
        %parallel_loop3A_244 = arith.constant 0 : i32
        %parallel_loop3A_245 = tpu.memref_slice %arg6[%parallel_loop3A_191, %parallel_loop3A_243, %parallel_loop3A_244] : memref<2x128x64xf32, #tpu.memory_space<vmem>> -> memref<1x128x64xf32, #tpu.memory_space<vmem>>
        %parallel_loop3A_246 = tpu.memref_squeeze %parallel_loop3A_245 : memref<1x128x64xf32, #tpu.memory_space<vmem>> -> memref<128x64xf32, #tpu.memory_space<vmem>>
        %parallel_loop3A_247 = arith.index_cast %parallel_loop3A_221 : i32 to index
        %parallel_loop3A_248 = arith.constant 48 : index
        %parallel_loop3A_249 = tpu.vector_load %parallel_loop3A_246[%parallel_loop3A_247, %parallel_loop3A_248] {strides = array<i32>} : memref<128x64xf32, #tpu.memory_space<vmem>>, vector<16xf32>,
        %parallel_loop3A_250 = arith.mulf %parallel_loop3A_228, %parallel_loop3A_228 : vector<16xf32>
        %parallel_loop3A_251 = arith.mulf %parallel_loop3A_235, %parallel_loop3A_235 : vector<16xf32>
        %parallel_loop3A_252 = arith.addf %parallel_loop3A_250, %parallel_loop3A_251 : vector<16xf32>
        %parallel_loop3A_253 = arith.mulf %parallel_loop3A_242, %parallel_loop3A_242 : vector<16xf32>
        %parallel_loop3A_254 = arith.addf %parallel_loop3A_252, %parallel_loop3A_253 : vector<16xf32>
        %parallel_loop3A_255 = arith.mulf %parallel_loop3A_249, %parallel_loop3A_249 : vector<16xf32>
        %parallel_loop3A_256 = arith.addf %parallel_loop3A_254, %parallel_loop3A_255 : vector<16xf32>
        %parallel_loop3A_257 = arith.constant 0 : i32
        %parallel_loop3A_258 = vector.broadcast %parallel_loop3A_257 : i32 to vector<16xi32>
        %parallel_loop3A_259 = arith.cmpi slt, %xor3A_4, %parallel_loop3A_258 : vector<16xi32>
        %parallel_loop3A_260 = arith.constant 16 : i32
        %parallel_loop3A_261 = vector.broadcast %parallel_loop3A_260 : i32 to vector<16xi32>
        %parallel_loop3A_262 = arith.addi %xor3A_4, %parallel_loop3A_261 : vector<16xi32>
        %parallel_loop3A_263 = arith.select %parallel_loop3A_259, %parallel_loop3A_262, %xor3A_4 : vector<16xi1>, vector<16xi32>
        %parallel_loop3A_264 = vector.shape_cast %parallel_loop3A_263 : vector<16xi32> to vector<16x1xi32>
        %parallel_loop3A_265 = vector.shape_cast %parallel_loop3A_264 : vector<16x1xi32> to vector<16xi32>
        %parallel_loop3A_266 = tpu.dynamic_gather %parallel_loop3A_256[%parallel_loop3A_265] in [0] : vector<16xf32>, vector<16xi32> -> vector<16xf32>
        %parallel_loop3A_267 = arith.addf %parallel_loop3A_256, %parallel_loop3A_266 : vector<16xf32>
        %parallel_loop3A_268 = arith.constant 0 : i32
        %parallel_loop3A_269 = vector.broadcast %parallel_loop3A_268 : i32 to vector<16xi32>
        %parallel_loop3A_270 = arith.cmpi slt, %xor3A_7, %parallel_loop3A_269 : vector<16xi32>
        %parallel_loop3A_271 = arith.constant 16 : i32
        %parallel_loop3A_272 = vector.broadcast %parallel_loop3A_271 : i32 to vector<16xi32>
        %parallel_loop3A_273 = arith.addi %xor3A_7, %parallel_loop3A_272 : vector<16xi32>
        %parallel_loop3A_274 = arith.select %parallel_loop3A_270, %parallel_loop3A_273, %xor3A_7 : vector<16xi1>, vector<16xi32>
        %parallel_loop3A_275 = vector.shape_cast %parallel_loop3A_274 : vector<16xi32> to vector<16x1xi32>
        %parallel_loop3A_276 = vector.shape_cast %parallel_loop3A_275 : vector<16x1xi32> to vector<16xi32>
        %parallel_loop3A_277 = tpu.dynamic_gather %parallel_loop3A_267[%parallel_loop3A_276] in [0] : vector<16xf32>, vector<16xi32> -> vector<16xf32>
        %parallel_loop3A_278 = arith.addf %parallel_loop3A_267, %parallel_loop3A_277 : vector<16xf32>
        %parallel_loop3A_279 = arith.constant 0 : i32
        %parallel_loop3A_280 = vector.broadcast %parallel_loop3A_279 : i32 to vector<16xi32>
        %parallel_loop3A_281 = arith.cmpi slt, %xor3A_10, %parallel_loop3A_280 : vector<16xi32>
        %parallel_loop3A_282 = arith.constant 16 : i32
        %parallel_loop3A_283 = vector.broadcast %parallel_loop3A_282 : i32 to vector<16xi32>
        %parallel_loop3A_284 = arith.addi %xor3A_10, %parallel_loop3A_283 : vector<16xi32>
        %parallel_loop3A_285 = arith.select %parallel_loop3A_281, %parallel_loop3A_284, %xor3A_10 : vector<16xi1>, vector<16xi32>
        %parallel_loop3A_286 = vector.shape_cast %parallel_loop3A_285 : vector<16xi32> to vector<16x1xi32>
        %parallel_loop3A_287 = vector.shape_cast %parallel_loop3A_286 : vector<16x1xi32> to vector<16xi32>
        %parallel_loop3A_288 = tpu.dynamic_gather %parallel_loop3A_278[%parallel_loop3A_287] in [0] : vector<16xf32>, vector<16xi32> -> vector<16xf32>
        %parallel_loop3A_289 = arith.addf %parallel_loop3A_278, %parallel_loop3A_288 : vector<16xf32>
        %parallel_loop3A_290 = arith.constant 0 : i32
        %parallel_loop3A_291 = vector.broadcast %parallel_loop3A_290 : i32 to vector<16xi32>
        %parallel_loop3A_292 = arith.cmpi slt, %xor3A_13, %parallel_loop3A_291 : vector<16xi32>
        %parallel_loop3A_293 = arith.constant 16 : i32
        %parallel_loop3A_294 = vector.broadcast %parallel_loop3A_293 : i32 to vector<16xi32>
        %parallel_loop3A_295 = arith.addi %xor3A_13, %parallel_loop3A_294 : vector<16xi32>
        %parallel_loop3A_296 = arith.select %parallel_loop3A_292, %parallel_loop3A_295, %xor3A_13 : vector<16xi1>, vector<16xi32>
        %parallel_loop3A_297 = vector.shape_cast %parallel_loop3A_296 : vector<16xi32> to vector<16x1xi32>
        %parallel_loop3A_298 = vector.shape_cast %parallel_loop3A_297 : vector<16x1xi32> to vector<16xi32>
        %parallel_loop3A_299 = tpu.dynamic_gather %parallel_loop3A_289[%parallel_loop3A_298] in [0] : vector<16xf32>, vector<16xi32> -> vector<16xf32>
        %parallel_loop3A_300 = arith.addf %parallel_loop3A_289, %parallel_loop3A_299 : vector<16xf32>
        %parallel_loop3A_301 = tpu.bitcast %parallel_loop3A_300 : vector<16xf32> -> vector<16xi32>
        %parallel_loop3A_302 = arith.constant 1 : i32
        %parallel_loop3A_303 = vector.broadcast %parallel_loop3A_302 : i32 to vector<16xi32>
        %parallel_loop3A_304 = arith.shrui %parallel_loop3A_301, %parallel_loop3A_303 : vector<16xi32>
        %parallel_loop3A_305 = arith.constant 1597463007 : i32
        %parallel_loop3A_306 = vector.broadcast %parallel_loop3A_305 : i32 to vector<16xi32>
        %parallel_loop3A_307 = arith.subi %parallel_loop3A_306, %parallel_loop3A_304 : vector<16xi32>
        %parallel_loop3A_308 = tpu.bitcast %parallel_loop3A_307 : vector<16xi32> -> vector<16xf32>
        %parallel_loop3A_309 = arith.constant 5.000000e-01 : f32
        %parallel_loop3A_310 = vector.broadcast %parallel_loop3A_309 : f32 to vector<16xf32>
        %parallel_loop3A_311 = arith.mulf %parallel_loop3A_310, %parallel_loop3A_300 : vector<16xf32>
        %parallel_loop3A_312 = arith.mulf %parallel_loop3A_311, %parallel_loop3A_308 : vector<16xf32>
        %parallel_loop3A_313 = arith.mulf %parallel_loop3A_312, %parallel_loop3A_308 : vector<16xf32>
        %parallel_loop3A_314 = arith.constant 1.500000e+00 : f32
        %parallel_loop3A_315 = vector.broadcast %parallel_loop3A_314 : f32 to vector<16xf32>
        %parallel_loop3A_316 = arith.subf %parallel_loop3A_315, %parallel_loop3A_313 : vector<16xf32>
        %parallel_loop3A_317 = arith.mulf %parallel_loop3A_308, %parallel_loop3A_316 : vector<16xf32>
        %parallel_loop3A_318 = arith.constant 5.000000e-01 : f32
        %parallel_loop3A_319 = vector.broadcast %parallel_loop3A_318 : f32 to vector<16xf32>
        %parallel_loop3A_320 = arith.mulf %parallel_loop3A_319, %parallel_loop3A_300 : vector<16xf32>
        %parallel_loop3A_321 = arith.mulf %parallel_loop3A_320, %parallel_loop3A_317 : vector<16xf32>
        %parallel_loop3A_322 = arith.mulf %parallel_loop3A_321, %parallel_loop3A_317 : vector<16xf32>
        %parallel_loop3A_323 = arith.constant 1.500000e+00 : f32
        %parallel_loop3A_324 = vector.broadcast %parallel_loop3A_323 : f32 to vector<16xf32>
        %parallel_loop3A_325 = arith.subf %parallel_loop3A_324, %parallel_loop3A_322 : vector<16xf32>
        %parallel_loop3A_326 = arith.mulf %parallel_loop3A_317, %parallel_loop3A_325 : vector<16xf32>
        %parallel_loop3A_327 = arith.constant 5.000000e-01 : f32
        %parallel_loop3A_328 = vector.broadcast %parallel_loop3A_327 : f32 to vector<16xf32>
        %parallel_loop3A_329 = arith.mulf %parallel_loop3A_328, %parallel_loop3A_300 : vector<16xf32>
        %parallel_loop3A_330 = arith.mulf %parallel_loop3A_329, %parallel_loop3A_326 : vector<16xf32>
        %parallel_loop3A_331 = arith.mulf %parallel_loop3A_330, %parallel_loop3A_326 : vector<16xf32>
        %parallel_loop3A_332 = arith.constant 1.500000e+00 : f32
        %parallel_loop3A_333 = vector.broadcast %parallel_loop3A_332 : f32 to vector<16xf32>
        %parallel_loop3A_334 = arith.subf %parallel_loop3A_333, %parallel_loop3A_331 : vector<16xf32>
        %parallel_loop3A_335 = arith.mulf %parallel_loop3A_326, %parallel_loop3A_334 : vector<16xf32>
        %parallel_loop3A_336 = arith.constant 0.999979972 : f32
        %parallel_loop3A_337 = vector.broadcast %parallel_loop3A_336 : f32 to vector<16xf32>
        %parallel_loop3A_338 = arith.cmpf ogt, %parallel_loop3A_300, %parallel_loop3A_337 : vector<16xf32>
        %parallel_loop3A_339 = arith.constant 0.999989986 : f32
        %parallel_loop3A_340 = vector.broadcast %parallel_loop3A_339 : f32 to vector<16xf32>
        %parallel_loop3A_341 = arith.mulf %parallel_loop3A_340, %parallel_loop3A_335 : vector<16xf32>
        %parallel_loop3A_342 = arith.constant 1.000000e+00 : f32
        %parallel_loop3A_343 = vector.broadcast %parallel_loop3A_342 : f32 to vector<16xf32>
        %parallel_loop3A_344 = arith.select %parallel_loop3A_338, %parallel_loop3A_341, %parallel_loop3A_343 : vector<16xi1>, vector<16xf32>
        %parallel_loop3A_345 = vector.broadcast %parallel_loop3A_221 : i32 to vector<16xi32>
        %parallel_loop3A_346 = arith.mulf %parallel_loop3A_228, %parallel_loop3A_344 : vector<16xf32>
        %parallel_loop3A_347 = arith.mulf %parallel_loop3A_235, %parallel_loop3A_344 : vector<16xf32>
        %parallel_loop3A_348 = arith.mulf %parallel_loop3A_242, %parallel_loop3A_344 : vector<16xf32>
        %parallel_loop3A_349 = arith.mulf %parallel_loop3A_249, %parallel_loop3A_344 : vector<16xf32>
        %parallel_loop3A_350 = arith.constant 0 : i32
        %parallel_loop3A_351 = arith.constant 0 : i32
        %parallel_loop3A_352 = arith.constant 0 : i32
        %parallel_loop3A_353 = tpu.memref_slice %arg7[%parallel_loop3A_192, %parallel_loop3A_350, %parallel_loop3A_351, %parallel_loop3A_352] : memref<2x8x8x129xf32, #tpu.memory_space<vmem>> -> memref<1x8x8x129xf32, #tpu.memory_space<vmem>>
        %parallel_loop3A_354 = tpu.memref_squeeze %parallel_loop3A_353 : memref<1x8x8x129xf32, #tpu.memory_space<vmem>> -> memref<8x8x129xf32, #tpu.memory_space<vmem>>
        tpu.vector_store_idx %parallel_loop3A_354[%shift_right_logical3A_27, %and3A_38, %parallel_loop3A_345], %parallel_loop3A_346 : memref<8x8x129xf32, #tpu.memory_space<vmem>>[vector<16xi32>, vector<16xi32>, vector<16xi32>], vector<16xf32>,
        %parallel_loop3A_355 = arith.constant 0 : i32
        %parallel_loop3A_356 = arith.constant 0 : i32
        %parallel_loop3A_357 = arith.constant 0 : i32
        %parallel_loop3A_358 = tpu.memref_slice %arg7[%parallel_loop3A_192, %parallel_loop3A_355, %parallel_loop3A_356, %parallel_loop3A_357] : memref<2x8x8x129xf32, #tpu.memory_space<vmem>> -> memref<1x8x8x129xf32, #tpu.memory_space<vmem>>
        %parallel_loop3A_359 = tpu.memref_squeeze %parallel_loop3A_358 : memref<1x8x8x129xf32, #tpu.memory_space<vmem>> -> memref<8x8x129xf32, #tpu.memory_space<vmem>>
        tpu.vector_store_idx %parallel_loop3A_359[%shift_right_logical3A_30, %and3A_41, %parallel_loop3A_345], %parallel_loop3A_347 : memref<8x8x129xf32, #tpu.memory_space<vmem>>[vector<16xi32>, vector<16xi32>, vector<16xi32>], vector<16xf32>,
        %parallel_loop3A_360 = arith.constant 0 : i32
        %parallel_loop3A_361 = arith.constant 0 : i32
        %parallel_loop3A_362 = arith.constant 0 : i32
        %parallel_loop3A_363 = tpu.memref_slice %arg7[%parallel_loop3A_192, %parallel_loop3A_360, %parallel_loop3A_361, %parallel_loop3A_362] : memref<2x8x8x129xf32, #tpu.memory_space<vmem>> -> memref<1x8x8x129xf32, #tpu.memory_space<vmem>>
        %parallel_loop3A_364 = tpu.memref_squeeze %parallel_loop3A_363 : memref<1x8x8x129xf32, #tpu.memory_space<vmem>> -> memref<8x8x129xf32, #tpu.memory_space<vmem>>
        tpu.vector_store_idx %parallel_loop3A_364[%shift_right_logical3A_33, %and3A_44, %parallel_loop3A_345], %parallel_loop3A_348 : memref<8x8x129xf32, #tpu.memory_space<vmem>>[vector<16xi32>, vector<16xi32>, vector<16xi32>], vector<16xf32>,
        %parallel_loop3A_365 = arith.constant 0 : i32
        %parallel_loop3A_366 = arith.constant 0 : i32
        %parallel_loop3A_367 = arith.constant 0 : i32
        %parallel_loop3A_368 = tpu.memref_slice %arg7[%parallel_loop3A_192, %parallel_loop3A_365, %parallel_loop3A_366, %parallel_loop3A_367] : memref<2x8x8x129xf32, #tpu.memory_space<vmem>> -> memref<1x8x8x129xf32, #tpu.memory_space<vmem>>
        %parallel_loop3A_369 = tpu.memref_squeeze %parallel_loop3A_368 : memref<1x8x8x129xf32, #tpu.memory_space<vmem>> -> memref<8x8x129xf32, #tpu.memory_space<vmem>>
        tpu.vector_store_idx %parallel_loop3A_369[%shift_right_logical3A_36, %and3A_47, %parallel_loop3A_345], %parallel_loop3A_349 : memref<8x8x129xf32, #tpu.memory_space<vmem>>[vector<16xi32>, vector<16xi32>, vector<16xi32>], vector<16xf32>,
      } {sc.loop_unroll_factor = 4 : i64, sc.parallel_access}
      %dma_start3A_193 = arith.constant 1 : i32
      %dma_start3A_194 = arith.constant 0 : i32
      %dma_start3A_195 = arith.constant 0 : i32
      %dma_start3A_196 = arith.constant 0 : i32
      %dma_start3A_197 = tpu.memref_slice %arg7[%dma_start3A_193, %dma_start3A_194, %dma_start3A_195, %dma_start3A_196] : memref<2x8x8x129xf32, #tpu.memory_space<vmem>> -> memref<1x8x8x128xf32, #tpu.memory_space<vmem>>
      %dma_start3A_198 = tpu.memref_squeeze %dma_start3A_197 : memref<1x8x8x128xf32, #tpu.memory_space<vmem>> -> memref<8x8x128xf32, #tpu.memory_space<vmem>>
      %dma_start3A_199 = arith.constant 0 : i32
      %dma_start3A_200 = arith.constant 0 : i32
      %dma_start3A_201 = arith.constant 0 : i32
      %dma_start3A_202 = tpu.memref_slice %arg4[%add3A_171, %dma_start3A_199, %add3A, %dma_start3A_200, %dma_start3A_201] : memref<50x8x32x8x128xf32, #tpu.memory_space<hbm>> -> memref<1x8x1x8x128xf32, #tpu.memory_space<hbm>>
      %dma_start3A_203 = tpu.memref_squeeze %dma_start3A_202 : memref<1x8x1x8x128xf32, #tpu.memory_space<hbm>> -> memref<8x8x128xf32, #tpu.memory_space<hbm>>
      %dma_start3A_204 = arith.constant 0 : i32
      %dma_start3A_205 = arith.constant 0 : i32
      %dma_start3A_206 = arith.constant 0 : i32
      %dma_start3A_207 = tpu.memref_slice %arg4[%add3A_171, %dma_start3A_204, %add3A, %dma_start3A_205, %dma_start3A_206] : memref<50x8x32x8x128xf32, #tpu.memory_space<hbm>> -> memref<1x8x1x8x128xf32, #tpu.memory_space<hbm>>
      %dma_start3A_208 = tpu.memref_squeeze %dma_start3A_207 : memref<1x8x1x8x128xf32, #tpu.memory_space<hbm>> -> memref<8x8x128xf32, #tpu.memory_space<hbm>>
      %dma_start3A_209 = arith.constant 0 : i32
      %dma_start3A_210 = arith.constant 0 : i32
      %dma_start3A_211 = arith.constant 0 : i32
      %dma_start3A_212 = tpu.memref_slice %arg7[%dma_start3A_193, %dma_start3A_209, %dma_start3A_210, %dma_start3A_211] : memref<2x8x8x129xf32, #tpu.memory_space<vmem>> -> memref<1x8x8x128xf32, #tpu.memory_space<vmem>>
      %dma_start3A_213 = tpu.memref_squeeze %dma_start3A_212 : memref<1x8x8x128xf32, #tpu.memory_space<vmem>> -> memref<8x8x128xf32, #tpu.memory_space<vmem>>
      tpu.enqueue_dma source(%dma_start3A_213 : memref<8x8x128xf32, #tpu.memory_space<vmem>>) target(%dma_start3A_208 : memref<8x8x128xf32, #tpu.memory_space<hbm>>) target_semaphore(%arg11 : memref<!tpu.dma_semaphore, #tpu.memory_space<semaphore_mem>>)
      %add3A_214 = arith.constant 2 : i32
      %add3A_215 = arith.addi %add3A_171, %add3A_214 : i32
      %lt3A_216 = arith.constant 50 : i32
      %lt3A_217 = arith.cmpi slt, %add3A_215, %lt3A_216 : i32
      %convert_element_type3A_218 = arith.extui %lt3A_217 : i1 to i32
      %cond3A_219 = arith.constant 0 : i32
      %cond3A_220 = arith.cmpi ne, %convert_element_type3A_218, %cond3A_219 : i32
      scf.if %cond3A_220 {
        %add3A_221 = arith.constant 2 : i32
        %add3A_222 = arith.addi %add3A_171, %add3A_221 : i32
        %dma_start3A_223 = arith.constant 1 : i32
        %dma_start3A_224 = arith.constant 0 : i32
        %dma_start3A_225 = arith.constant 0 : i32
        %dma_start3A_226 = tpu.memref_slice %arg6[%dma_start3A_223, %dma_start3A_224, %dma_start3A_225] : memref<2x128x64xf32, #tpu.memory_space<vmem>> -> memref<1x128x64xf32, #tpu.memory_space<vmem>>
        %dma_start3A_227 = tpu.memref_squeeze %dma_start3A_226 : memref<1x128x64xf32, #tpu.memory_space<vmem>> -> memref<128x64xf32, #tpu.memory_space<vmem>>
        %dma_start3A_228 = arith.constant 0 : i32
        %dma_start3A_229 = tpu.memref_slice %arg5[%add3A_222, %dma_start3A_228] : memref<50x128xi32, #tpu.memory_space<vmem>> -> memref<1x128xi32, #tpu.memory_space<vmem>>
        %dma_start3A_230 = tpu.memref_squeeze %dma_start3A_229 : memref<1x128xi32, #tpu.memory_space<vmem>> -> memref<128xi32, #tpu.memory_space<vmem>>
        %dma_start3A_231 = arith.constant 0 : i32
        %dma_start3A_232 = arith.constant 0 : i32
        %dma_start3A_233 = tpu.memref_slice %arg2[%dma_start3A_231, %dma_start3A_232] : memref<100000x64xf32, #tpu.memory_space<hbm>> -> memref<100000x64xf32, #tpu.memory_space<hbm>>
        tpu.enqueue_indirect_dma source(%dma_start3A_233 : memref<100000x64xf32, #tpu.memory_space<hbm>>) target(%dma_start3A_227 : memref<128x64xf32, #tpu.memory_space<vmem>>) offsets(%dma_start3A_230 : memref<128xi32, #tpu.memory_space<vmem>>) semaphore(%arg9 : memref<!tpu.dma_semaphore, #tpu.memory_space<semaphore_mem>>)
      } else {
      }
    }
    %scan3A_75 = arith.constant 25 : i32
    %dma_wait3A = arith.constant 0 : i32
    %dma_wait3A_76 = arith.constant 0 : i32
    %dma_wait3A_77 = arith.constant 0 : i32
    %dma_wait3A_78 = arith.constant 0 : i32
    %dma_wait3A_79 = arith.constant 0 : i32
    %dma_wait3A_80 = tpu.memref_slice %arg7[%dma_wait3A, %dma_wait3A_77, %dma_wait3A_78, %dma_wait3A_79] : memref<2x8x8x129xf32, #tpu.memory_space<vmem>> -> memref<1x8x8x128xf32, #tpu.memory_space<vmem>>
    %dma_wait3A_81 = tpu.memref_squeeze %dma_wait3A_80 : memref<1x8x8x128xf32, #tpu.memory_space<vmem>> -> memref<8x8x128xf32, #tpu.memory_space<vmem>>
    %dma_wait3A_82 = arith.constant 0 : i32
    %dma_wait3A_83 = arith.constant 0 : i32
    %dma_wait3A_84 = arith.constant 0 : i32
    %dma_wait3A_85 = tpu.memref_slice %arg4[%dma_wait3A_76, %dma_wait3A_82, %add3A, %dma_wait3A_83, %dma_wait3A_84] : memref<50x8x32x8x128xf32, #tpu.memory_space<hbm>> -> memref<1x8x1x8x128xf32, #tpu.memory_space<hbm>>
    %dma_wait3A_86 = tpu.memref_squeeze %dma_wait3A_85 : memref<1x8x1x8x128xf32, #tpu.memory_space<hbm>> -> memref<8x8x128xf32, #tpu.memory_space<hbm>>
    %dma_wait3A_87 = arith.constant 0 : i32
    %dma_wait3A_88 = arith.constant 0 : i32
    %dma_wait3A_89 = arith.constant 0 : i32
    %dma_wait3A_90 = tpu.memref_slice %arg4[%dma_wait3A_76, %dma_wait3A_87, %add3A, %dma_wait3A_88, %dma_wait3A_89] : memref<50x8x32x8x128xf32, #tpu.memory_space<hbm>> -> memref<1x8x1x8x128xf32, #tpu.memory_space<hbm>>
    %dma_wait3A_91 = tpu.memref_squeeze %dma_wait3A_90 : memref<1x8x1x8x128xf32, #tpu.memory_space<hbm>> -> memref<8x8x128xf32, #tpu.memory_space<hbm>>
    %dma_wait3A_92 = arith.constant 0 : i32
    %dma_wait3A_93 = arith.constant 0 : i32
    %dma_wait3A_94 = arith.constant 0 : i32
    %dma_wait3A_95 = tpu.memref_slice %arg7[%dma_wait3A, %dma_wait3A_92, %dma_wait3A_93, %dma_wait3A_94] : memref<2x8x8x129xf32, #tpu.memory_space<vmem>> -> memref<1x8x8x128xf32, #tpu.memory_space<vmem>>
    %dma_wait3A_96 = tpu.memref_squeeze %dma_wait3A_95 : memref<1x8x8x128xf32, #tpu.memory_space<vmem>> -> memref<8x8x128xf32, #tpu.memory_space<vmem>>
    tpu.wait_dma2 semaphore(%arg10 : memref<!tpu.dma_semaphore, #tpu.memory_space<semaphore_mem>>) src(%dma_wait3A_96 : memref<8x8x128xf32, #tpu.memory_space<vmem>>) dst(%dma_wait3A_91 : memref<8x8x128xf32, #tpu.memory_space<hbm>>)
    %dma_wait3A_97 = arith.constant 1 : i32
    %dma_wait3A_98 = arith.constant 0 : i32
    %dma_wait3A_99 = arith.constant 0 : i32
    %dma_wait3A_100 = arith.constant 0 : i32
    %dma_wait3A_101 = arith.constant 0 : i32
    %dma_wait3A_102 = tpu.memref_slice %arg7[%dma_wait3A_97, %dma_wait3A_99, %dma_wait3A_100, %dma_wait3A_101] : memref<2x8x8x129xf32, #tpu.memory_space<vmem>> -> memref<1x8x8x128xf32, #tpu.memory_space<vmem>>
    %dma_wait3A_103 = tpu.memref_squeeze %dma_wait3A_102 : memref<1x8x8x128xf32, #tpu.memory_space<vmem>> -> memref<8x8x128xf32, #tpu.memory_space<vmem>>
    %dma_wait3A_104 = arith.constant 0 : i32
    %dma_wait3A_105 = arith.constant 0 : i32
    %dma_wait3A_106 = arith.constant 0 : i32
    %dma_wait3A_107 = tpu.memref_slice %arg4[%dma_wait3A_98, %dma_wait3A_104, %add3A, %dma_wait3A_105, %dma_wait3A_106] : memref<50x8x32x8x128xf32, #tpu.memory_space<hbm>> -> memref<1x8x1x8x128xf32, #tpu.memory_space<hbm>>
    %dma_wait3A_108 = tpu.memref_squeeze %dma_wait3A_107 : memref<1x8x1x8x128xf32, #tpu.memory_space<hbm>> -> memref<8x8x128xf32, #tpu.memory_space<hbm>>
    %dma_wait3A_109 = arith.constant 0 : i32
    %dma_wait3A_110 = arith.constant 0 : i32
    %dma_wait3A_111 = arith.constant 0 : i32
    %dma_wait3A_112 = tpu.memref_slice %arg4[%dma_wait3A_98, %dma_wait3A_109, %add3A, %dma_wait3A_110, %dma_wait3A_111] : memref<50x8x32x8x128xf32, #tpu.memory_space<hbm>> -> memref<1x8x1x8x128xf32, #tpu.memory_space<hbm>>
    %dma_wait3A_113 = tpu.memref_squeeze %dma_wait3A_112 : memref<1x8x1x8x128xf32, #tpu.memory_space<hbm>> -> memref<8x8x128xf32, #tpu.memory_space<hbm>>
    %dma_wait3A_114 = arith.constant 0 : i32
    %dma_wait3A_115 = arith.constant 0 : i32
    %dma_wait3A_116 = arith.constant 0 : i32
    %dma_wait3A_117 = tpu.memref_slice %arg7[%dma_wait3A_97, %dma_wait3A_114, %dma_wait3A_115, %dma_wait3A_116] : memref<2x8x8x129xf32, #tpu.memory_space<vmem>> -> memref<1x8x8x128xf32, #tpu.memory_space<vmem>>
    %dma_wait3A_118 = tpu.memref_squeeze %dma_wait3A_117 : memref<1x8x8x128xf32, #tpu.memory_space<vmem>> -> memref<8x8x128xf32, #tpu.memory_space<vmem>>
    tpu.wait_dma2 semaphore(%arg11 : memref<!tpu.dma_semaphore, #tpu.memory_space<semaphore_mem>>) src(%dma_wait3A_118 : memref<8x8x128xf32, #tpu.memory_space<vmem>>) dst(%dma_wait3A_113 : memref<8x8x128xf32, #tpu.memory_space<hbm>>)
    return
  }
}

</mosaic_0001>

<sc_bundles>
// kernel: kernel.3.cloned.1.call-start
scs
__scs_entry_jumppad:
0x0: {  	(pc) =	sbr.rel $0x88, $3  }
0x1: {  	(tag) =	ssettag $0x0;
	lr =	simm.s32 $0x1  }
0x2: {  	[smem:$0x3F9F] =	sst lr;
	_ =	strace $0xD0000000  }
0x3: {  	_ = 	snop  }
0x4: {  	_ = 	snop  }
0x5: {  	_ = 	snop  }
0x6: {  	_ = 	snop  }
0x7: {  	_ = 	snop  }
__scs_overlays_trampoline_lowered:
0x8: {  	[smem:$0x3FAE] =	sst s0  }
0x9: {  	[smem:$0x3FAF] =	sst s1  }
0xa: {  	[smem:$0x3FB0] =	sst s2  }
0xb: {  	[smem:$0x3FB1] =	sst s3  }
0xc: {  	[smem:$0x3FB2] =	sst s4  }
0xd: {  	[smem:$0x3FB3] =	sst s5  }
0xe: {  	[smem:$0x3FB4] =	sst s6  }
0xf: {  	[smem:$0x3FB5] =	sst s7  }
0x10: {  	[smem:$0x3FB6] =	sst s8  }
0x11: {  	[smem:$0x3FB7] =	sst s9;
	s0 =	simm.s32 @!p0 $0x0  }
0x12: {  	s1 =	sld [smem:$0x3F9D];
	s0 =	simm.s32 @p0 $0x1  }
0x13: {  	[smem:$0x3FB8] =	sst s0;
	s0 =	simm.s32 @!p1 $0x0  }
0x14: {  	s2 =	sld [smem:$0x3F9C];
	s0 =	simm.s32 @p1 $0x1  }
0x15: {  	[smem:$0x3FB9] =	sst s0;
	s0 =	simm.s32 @!p2 $0x0  }
0x16: {  	s3 =	sld [smem:$0x3FDB];
	s0 =	simm.s32 @p2 $0x1  }
0x17: {  	s4 =	simm.s32 $0x1BF5;
	[smem:$0x3FBB] =	sst s0  }
0x18: {  	s0 =	sld [smem:$0x3F9E];
	_ =	swait.ge [sflag:s4], $0x0  }
0x19: {  	s7 =	sld [smem:$0x3F9F]  }
0x1a: {  	s8 =	sadd.s32 $0xFFFFE003, lr  }
0x1b: {  	s9 =	sadd.s32 $0xFFFFFEF7, lr;
	s5 =	simm.s32 $0xFFFFFFFF;
	p2 =	slt.u32 s8, $0xFFFFF086  }
0x1c: {  	p1 =	slt.u32 s9, $0xF7A;
	s5 =	simm.s32 @!p2 $0x0  }
0x1d: {  	s5 =	simm.s32 @p1 $0x1;
	p0 =	seq.s32 s7, s2  }
0x1e: {  	s7 =	smul.u32 @!p0 $0xF7A, s2;
	p2 =	seq.s32 @!p0 s5, $0x0  }
0x1f: {  	s9 =	smul.u32 $0xF7A, s1;
	s8 =	simm.s32 @!p0 $0x1BF5;
	p2 =	por !p2, p0  }
0x20: {  	[sflag:s8] =	ssyncset.s32 @!p0 $0xFFFFF086;
	s6 =	sadd.s32 @!p0 s3, s7;
	s7 =	simm.s32 @!p0 $0x108  }
0x21: {  	s3 =	sadd.s32 s3, s9;
	s6 =	sadd.s32 @!p0 $0x88, s6;
	s7 =	simm.s32 @p2 $0x1082  }
0x22: {  	[simem:s7], [sflag:s8] =	dma.local @!p0 [hbm:s6], $0xF7A  }
0x23: {  	s9 =	sor.u32 $0xD0000000, s2;
	s6 =	simm.s32 $0x108;
	_ =	swait.ge @!p0 [sflag:s8], $0x0  }
0x24: {  	s3 =	sadd.s32 $0x88, s3;
	s6 =	simm.s32 @!p1 $0x1082;
	[sflag:s4] =	ssyncset.s32 $0xFFFFF086  }
0x25: {  	[simem:s6], [sflag:s4] =	dma.local [hbm:s3], $0xF7A  }
0x26: {  	[smem:$0x3F9F] =	sst s1;
	(tag) =	ssettag s2;
	_ =	strace s9  }
0x27: {  	s1 =	sld [smem:$0x3FAF]  }
0x28: {  	s2 =	sld [smem:$0x3FB0]  }
0x29: {  	s4 =	sld [smem:$0x3FB2]  }
0x2a: {  	p0 =	seq.s32 s5, $0x0;
	s5 =	sld [smem:$0x3FB3]  }
0x2b: {  	s6 =	sld [smem:$0x3FB4]  }
0x2c: {  	s7 =	sld [smem:$0x3FB5]  }
0x2d: {  	s3 =	simm.s32 $0x108;
	s8 =	sld [smem:$0x3FB6]  }
0x2e: {  	s3 =	simm.s32 @!p0 $0x1082;
	s9 =	sld [smem:$0x3FB7]  }
0x2f: {  	lr =	sadd.s32 s0, s3;
	s0 =	sld [smem:$0x3FAE]  }
0x30: {  	s3 =	sld [smem:$0x3FB1]  }
0x31: {  	[smem:$0x3FBA] =	sst s10  }
0x32: {  	s10 =	sld [smem:$0x3FB8];
	_ =	sdelay $0x3  }
0x33: {  	p0 =	seq.s32 s10, $0x1;
	s10 =	sld [smem:$0x3FBA];
	_ =	sdelay $0x3  }
0x34: {  	[smem:$0x3FBA] =	sst s10  }
0x35: {  	s10 =	sld [smem:$0x3FB9];
	_ =	sdelay $0x3  }
0x36: {  	p1 =	seq.s32 s10, $0x1;
	s10 =	sld [smem:$0x3FBA];
	_ =	sdelay $0x3  }
0x37: {  	[smem:$0x3FBA] =	sst s10  }
0x38: {  	s10 =	sld [smem:$0x3FBB]  }
0x39: {  	_ = 	snop;
	(pc) =	sbr.ind lr, $3  }
0x3a: {  	_ = 	snop  }
0x3b: {  	_ = 	snop  }
0x3c: {  	p2 =	seq.s32 s10, $0x1;
	s10 =	sld [smem:$0x3FBA]  }
0x3d: {  	_ =	shalt  }
0x3e: {  	_ =	shalt  }
0x3f: {  	_ =	shalt  }
0x40: {  	_ =	shalt  }
0x41: {  	_ =	shalt  }
0x42: {  	_ =	shalt  }
0x43: {  	_ =	shalt  }
0x44: {  	_ =	shalt  }
0x45: {  	_ =	shalt  }
0x46: {  	_ =	shalt  }
0x47: {  	_ =	shalt  }
0x48: {  	_ =	shalt  }
0x49: {  	_ =	shalt  }
0x4a: {  	_ =	shalt  }
0x4b: {  	_ =	shalt  }
0x4c: {  	_ =	shalt  }
0x4d: {  	_ =	shalt  }
0x4e: {  	_ =	shalt  }
0x4f: {  	_ =	shalt  }
0x50: {  	_ =	shalt  }
0x51: {  	_ =	shalt  }
0x52: {  	_ =	shalt  }
0x53: {  	_ =	shalt  }
0x54: {  	_ =	shalt  }
0x55: {  	_ =	shalt  }
0x56: {  	_ =	shalt  }
0x57: {  	_ =	shalt  }
0x58: {  	_ =	shalt  }
0x59: {  	_ =	shalt  }
0x5a: {  	_ =	shalt  }
0x5b: {  	_ =	shalt  }
0x5c: {  	_ =	shalt  }
0x5d: {  	_ =	shalt  }
0x5e: {  	_ =	shalt  }
0x5f: {  	_ =	shalt  }
0x60: {  	_ =	shalt  }
0x61: {  	_ =	shalt  }
0x62: {  	_ =	shalt  }
0x63: {  	_ =	shalt  }
0x64: {  	_ =	shalt  }
0x65: {  	_ =	shalt  }
0x66: {  	_ =	shalt  }
0x67: {  	_ =	shalt  }
0x68: {  	_ =	shalt  }
0x69: {  	_ =	shalt  }
0x6a: {  	_ =	shalt  }
0x6b: {  	_ =	shalt  }
0x6c: {  	_ =	shalt  }
0x6d: {  	_ =	shalt  }
0x6e: {  	_ =	shalt  }
0x6f: {  	_ =	shalt  }
0x70: {  	_ =	shalt  }
0x71: {  	_ =	shalt  }
0x72: {  	_ =	shalt  }
0x73: {  	_ =	shalt  }
0x74: {  	_ =	shalt  }
0x75: {  	_ =	shalt  }
0x76: {  	_ =	shalt  }
0x77: {  	_ =	shalt  }
0x78: {  	_ =	shalt  }
0x79: {  	_ =	shalt  }
0x7a: {  	_ =	shalt  }
0x7b: {  	_ =	shalt  }
0x7c: {  	_ =	shalt  }
0x7d: {  	_ =	shalt  }
0x7e: {  	_ =	shalt  }
0x7f: {  	_ =	shalt  }
0x80: {  	_ =	shalt  }
0x81: {  	_ =	shalt  }
0x82: {  	_ =	shalt  }
0x83: {  	_ =	shalt  }
0x84: {  	_ =	shalt  }
0x85: {  	_ =	shalt  }
0x86: {  	_ =	shalt  }
0x87: {  	_ =	shalt  }
.Lfunc_end0:
.L_simem_size_0:
called_computation_lowered:
.L_overlay_start_0:
0x88: {  	s2 =	sld [smem:$0x3FD9]  }
0x89: {  	s3 =	sld [smem:$0x3FFE];
	_ =	sdelay $0x1  }
0x8a: {  	s1 =	srdreg.scid  }
0x8b: {  	s0 =	sand.u32 $0x1, s1  }
0x8c: {  	s17 =	sshll.u32 s0, $0xA;
	s2 =	sadd.s32 s3, s2  }
0x8d: {  	s2 =	sadd.s32 s2, s17  }
0x8e: {  	[smem:$0x3FC6] =	sst s2  }
0x8f: {  	_ = 	snop  }
0x90: {  	s2 =	sld [smem:$0x3FD0];
	(tm) =	ssettm $0x1  }
0x91: {  	s18 =	sld [smem:$0x3FFB];
	_ =	sdelay $0x3  }
0x92: {  	_ =	strace s18  }
0x93: {  	s3 =	sld [smem:$0x3FFC];
	_ =	sdelay $0x3  }
0x94: {  	_ =	strace s3  }
0x95: {  	s3 =	sld [smem:$0x3FFD];
	_ =	sdelay $0x3  }
0x96: {  	_ =	strace s3  }
0x97: {  	_ =	strace $0x8FFFFFFF  }
0x98: {  	s19 =	sld [smem:$0x3FDB];
	_ =	sdelay $0x1  }
0x99: {  	s4 =	simm.s32 $_scs_section_size  }
0x9a: {  	s5 =	simm.s32 $_size__tile_overlayer_lowered;
	s6 =	simm.s32 $_tile_overlayer_lowered  }
0x9b: {  	s22 =	simm.s32 $0x1BFF;
	s21 =	sshll.u32 s6, $0x1;
	s3 =	sadd.s32 s4, s19  }
0x9c: {  	s7 =	simm.s32 $0x0;
	s20 =	sshll.u32 s5, $0x1;
	s5 =	sadd.s32 s21, s3  }
0x9d: {  	[timem:s7], [sflag:s22] =	dma.local [hbm:s5], s20  }
0x9e: {  	_ =	swait.ge [sflag:s22], s20  }
0x9f: {  	s4 =	ssub.s32 $0x0, s20;
	[sflag:s22] =	ssyncset.done $0x0  }
0xa0: {  	[sflag:s22] =	ssyncadd.s32 s4;
	_ =	sdelay $0x1  }
0xa1: {  	s23 =	simm.s32 $0x1B8B  }
0xa2: {  	_ =	swait.ge [sflag:s23], $0x1  }
0xa3: {  	[sflag:s23] =	ssyncset.done $0x0  }
0xa4: {  	s25 =	simm.s32 $0x1B8E;
	s24 =	sld [smem:$0x3FFE];
	[sflag:s23] =	ssyncadd.s32 $0xFFFFFFFF  }
0xa5: {  	s26 =	simm.s32 $execute0_lowered;
	[smem:$0x3FD2] =	sst s25  }
0xa6: {  	s5 =	sshll.u32 s26, $0x1;
	_ =	strace $0x80000046;
	[dreg:$0x1] =	wrdreg $0xFFFFFFFF  }
0xa7: {  	s28 =	simm.s32 $_size_execute0_lowered;
	s3 =	sadd.s32 s3, s5;
	[dreg:$0x0] =	wrdreg $0x0  }
0xa8: {  	s5 =	sshll.u32 s28, $0x1;
	[dreg:$0x2] =	wrdreg s3  }
0xa9: {  	[dreg:$0x3] =	wrdreg s5  }
0xaa: {  	[dreg:$0x4] =	wrdreg $0xC0  }
0xab: {  	_ =	task [dreg:s7], $0x5FFFF  }
0xac: {  	[dreg:$0x1] =	wrdreg $0xFFFFFFFF  }
0xad: {  	[dreg:$0x0] =	wrdreg $0x60  }
0xae: {  	[dreg:$0x2] =	wrdreg s24  }
0xaf: {  	[dreg:$0x3] =	wrdreg s2  }
0xb0: {  	[dreg:$0x4] =	wrdreg $0x9  }
0xb1: {  	_ =	task.clear_ibuf [dreg:s7], $0x5FFFF;
	_ =	strace $0x90000046  }
0xb2: {  	s29 =	simm.s32 $0x9;
	_ =	strace $0x80000048  }
0xb3: {  	_ =	swait.ge [sflag:s29], $0x1  }
0xb4: {  	[sflag:s29] =	ssyncadd.s32 $0xFFFFFFFF  }
0xb5: {  	_ =	strace $0x90000048  }
0xb6: {  	_ =	sfence  }
0xb7: {  	s30 =	sld [smem:$0x0];
	_ =	sdelay $0x2  }
0xb8: {  	s31 =	sshll.u32 s1, $0xD;
	s1 =	sshrl.u32 s1, $0x2  }
0xb9: {  	s3 =	sand.u32 $0x4000, s31;
	s1 =	sadd.s32 s1, s30  }
0xba: {  	s0 =	sor.u32 s3, s0;
	s1 =	sshll.u32 s1, $0x11  }
0xbb: {  	s0 =	sor.u32 s1, s0  }
0xbc: {  	s0 =	sadd.s32 $0x8F2B, s0  }
0xbd: {  	[sflag:s0] =	ssyncadd.remote.s32 $0x1  }
0xbe: {  	_ =	sfence.sel $0xFFFF  }
0xbf: {  	[dreg:$0x0] =	wrdreg $0xFFFFFFFF;
	(pc) =	sbr.abs _section_cstart, $3  }
0xc0: {  	[dreg:$0x1] =	wrdreg $0xFFFFFFFF  }
0xc1: {  	_ =	task.clear_ibuf [dreg:s7], $0x2FFFF;
	_ =	strace $0x9FFFFFFF  }
0xc2: {  	(tm) =	ssettm $0x7FFFFFFF  }
0xc3: {  	_ =	shalt  }
tec
execute0_lowered:
.L_overlay_start_1:
0x0: {  	(tag) =	ssettag $0x1  }
0x1: {  	v0 =	vimm.s32 $0xFEDCBA98;
	v1 =	vimm.s32 $0x76543210  }
0x2: {  	s4 =	rddreg [dreg:$0x0];
	s1 =	srdreg.scid;
	v2 =	vimm.s32 $0xBA98FEDC;
	v3 =	vimm.s32 $0x32107654;
	v4 =	vimm.s32 $0xDCFE98BA  }
0x3: {  	s0 =	stileid.u32;
	s2 =	rddreg [dreg:$0x1];
	v5 =	vimm.s32 $0x54761032;
	v6 =	vimm.s32 $0xEFCDAB89;
	v7 =	vimm.s32 $0x67452301  }
0x4: {  	s3 =	simm.s32 $0x0;
	s9 =	simm.s32 $0x80;
	s10 =	simm.s32 $0x1000;
	v0 =	vunpack.c.l.s4.s8 v0;
	v1 =	vunpack.c.l.s4.s8 v1;
	v2 =	vunpack.c.l.s4.s8 v2  }
0x5: {  	s11 =	simm.s32 $0x5;
	s12 =	simm.s32 $0x1900;
	s13 =	simm.s32 $0x3900;
	v3 =	vunpack.c.l.s4.s8 v3;
	v4 =	vunpack.c.l.s4.s8 v4;
	v5 =	vunpack.c.l.s4.s8 v5  }
0x6: {  	s14 =	simm.s32 $0x1;
	s15 =	simm.s32 $0x5900;
	s16 =	simm.s32 $0x2;
	v6 =	vunpack.c.l.s4.s8 v6;
	v7 =	vunpack.c.l.s4.s8 v7;
	v0 =	vunpack.c.0.s8.s32 v0  }
0x7: {  	s17 =	simm.s32 $0x4;
	s18 =	simm.s32 $0x7B00;
	s19 =	simm.s32 $0x3;
	v2 =	vunpack.c.0.s8.s32 v2;
	v3 =	vunpack.c.0.s8.s32 v3;
	v4 =	vunpack.c.0.s8.s32 v4  }
0x8: {  	s20 =	simm.s32 $0x0;
	s5 =	sand.u32 $0x1, s1;
	s1 =	rddreg [dreg:$0x2];
	v5 =	vunpack.c.0.s8.s32 v5;
	v6 =	vunpack.c.0.s8.s32 v6;
	v7 =	vunpack.c.0.s8.s32 v7  }
.Ltmp0:
0x9: {  	s6 =	sshll.u32 s0, $0x1;
	[smem:$0x7FF] =	sst s3;
	v1 =	vunpack.c.0.s8.s32 v1;
	v0 =	vand.u32 $0xF, v0;
	v2 =	vcombine.low v3, v2;
	(pc) =	sbr.rel .LBB2_1-.Ltmp0, $4  }
0xa: {  	s6 =	sor.u32 s5, s6;
	s5 =	ssub.s32 $0x2, s5;
	_ =	strace $0x80000047;
	v3 =	vcombine.low v5, v4;
	v4 =	vcombine.low v7, v6;
	v5 =	vlaneseq.u32  }
0xb: {  	s7 =	sshll.u32 s6, $0x4;
	s8 =	sshrl.u32 s5, $0x1;
	s6 =	sshll.u32 s6, $0x7;
	v0 =	vcombine.low v0, v1;
	v1 =	vmul.u32 $0x88, v5  }
0xc: {  	s7 =	sadd.s32 s7, s4;
	s4 =	sadd.s32 $0x6800, s4;
	s8 =	ssub.s32 s5, s8;
	v2 =	vand.u32 $0xF, v2;
	v3 =	vand.u32 $0xF, v3;
	v4 =	vand.u32 $0xF, v4  }
0xd: {  	s5 =	sadd.s32 $0x400, s7;
	s7 =	sadd.s32 $0x8000, s2;
	s8 =	smax.u32 s8, $0x1;
	v5 =	vadd.s32 $0x880, v1;
	v6 =	vadd.s32 $0x1100, v1;
	v7 =	vadd.s32 $0x1980, v1  }
.LBB2_16:
0xe: {  	s20 =	sadd.s32 $0x1, s20  }
0xf: {  	_ =	swait.ge [sflag:s19], $0x2000;
	p0 =	sne.s32 s20, s8  }
.Ltmp1:
0x10: {  	[sflag:s19] =	ssyncset.done $0x0;
	(pc) =	sbr.rel @!p0 .LBB2_17-.Ltmp1, $4  }
0x11: {  	[sflag:s19] =	ssyncadd.s32 $0xFFFFE000  }
0x12: {  	_ =	swait.ge [sflag:s17], $0x2000  }
0x13: {  	[sflag:s17] =	ssyncset.done $0x0  }
0x14: {  	[sflag:s17] =	ssyncadd.s32 $0xFFFFE000  }
.LBB2_1:
0x15: {  	[tilespmem:s3], [sflag:$0x5] =	stream.strided.gather [hbm4b:s5+s9], $0x1900, s10, s9, $0x38;
	[tilespmem:$0x9D00] =	vst v63  }
0x16: {  	_ =	swait.ge [sflag:s11], $0x1900  }
0x17: {  	[sflag:s11] =	ssyncset.done $0x0  }
0x18: {  	[sflag:s11] =	ssyncadd.s32 $0xFFFFE700  }
0x19: {  	[tilespmem:s12], [sflag:$0x1] =	stream.indirect.gather [hbm4b:s4+s9], $0x40, s3, s9, $0xb8;
	[tilespmem:$0x9D00] =	vst v63  }
0x1a: {  	s21 =	simm.s32 $0x0  }
0x1b: {  	[tilespmem:s13], [sflag:$0x2] =	stream.indirect.gather [hbm4b:s4+s9], $0x40, s9, s9, $0xb8;
	[tilespmem:$0x9D00] =	vst v63  }
.LBB2_2:
0x1c: {  	_ =	swait.ge [sflag:s14], $0x2000  }
0x1d: {  	p0 =	seq.s32 s21, $0x0;
	[sflag:s14] =	ssyncset.done $0x0  }
0x1e: {  	s22 =	simm.s32 @!p0 $0x3;
	[sflag:s14] =	ssyncadd.s32 $0xFFFFE000  }
0x1f: {  	_ =	swait.ge @!p0 [sflag:s22], $0x2000  }
0x20: {  	[sflag:s22] =	ssyncset.done @!p0 $0x0  }
0x21: {  	s26 =	simm.s32 $0x1980;
	[sflag:s22] =	ssyncadd.s32 @!p0 $0xFFFFE000  }
0x22: {  	v21 =	vld [tilespmem:s26+$0x40]  }
0x23: {  	v31 =	vld [tilespmem:s26+$0x50]  }
0x24: {  	v16 =	vld [tilespmem:s26+$0xFFFFFF90]  }
0x25: {  	v22 =	vld [tilespmem:s26+$0x60]  }
0x26: {  	v14 =	vld [tilespmem:s26+$0xFFFFFFC0]  }
0x27: {  	v30 =	vld [tilespmem:s26+$0x70]  }
0x28: {  	v12 =	vld [tilespmem:s26+$0xFFFFFFD0];
	v9 =	vmul.f32 v21, v21;
	v11 =	vmul.f32 v31, v31  }
0x29: {  	v10 =	vld [tilespmem:s26+$0x0]  }
0x2a: {  	v8 =	vld [tilespmem:s26+$0x10];
	v9 =	vadd.f32 v11, v9;
	v11 =	vmul.f32 v22, v22  }
0x2b: {  	v18 =	vld [tilespmem:s26+$0xFFFFFF80]  }
0x2c: {  	v17 =	vld [tilespmem:s26+$0xFFFFFFA0];
	v15 =	vmul.f32 v30, v30;
	v11 =	vadd.f32 v11, v9  }
0x2d: {  	v13 =	vld [tilespmem:s26+$0xFFFFFFE0]  }
0x2e: {  	v19 =	vld [tilespmem:s26+$0xFFFFFFB0];
	v20 =	vmul.f32 v16, v16;
	v23 =	vadd.f32 v15, v11  }
0x2f: {  	v24 =	vmul.f32 v14, v14;
	v25 =	vmul.f32 v12, v12;
	v9 =	vld [tilespmem:s26+$0x20]  }
0x30: {  	v26 =	vmul.f32 v18, v18;
	v15 =	vld [tilespmem:s26+$0xFFFFFFF0];
	v27 =	vperm.xlane v23, v0  }
0x31: {  	v28 =	vmul.f32 v10, v10;
	v29 =	vmul.f32 v8, v8;
	v11 =	vld [tilespmem:s26+$0x30]  }
0x32: {  	v32 =	vmul.f32 v17, v17;
	v20 =	vadd.f32 v20, v26;
	v23 =	vadd.f32 v23, v27  }
0x33: {  	v24 =	vadd.f32 v25, v24;
	v25 =	vadd.f32 v29, v28;
	v26 =	vmul.f32 v13, v13  }
0x34: {  	v20 =	vadd.f32 v32, v20;
	v27 =	vmul.f32 v9, v9;
	v28 =	vperm.xlane v23, v2  }
0x35: {  	v24 =	vadd.f32 v26, v24;
	v26 =	vmul.f32 v19, v19;
	v29 =	vmul.f32 v15, v15  }
0x36: {  	v25 =	vadd.f32 v27, v25;
	v27 =	vmul.f32 v11, v11;
	v23 =	vadd.f32 v23, v28  }
0x37: {  	v20 =	vadd.f32 v26, v20;
	v24 =	vadd.f32 v29, v24  }
0x38: {  	v25 =	vadd.f32 v27, v25;
	v26 =	vperm.xlane v23, v3  }
0x39: {  	v27 =	vperm.xlane v20, v0;
	v28 =	vperm.xlane v24, v0  }
0x3a: {  	v29 =	vperm.xlane v25, v0;
	v23 =	vadd.f32 v23, v26  }
0x3b: {  	v20 =	vadd.f32 v20, v27;
	v24 =	vadd.f32 v24, v28  }
0x3c: {  	v25 =	vadd.f32 v25, v29;
	v26 =	vperm.xlane v23, v4  }
0x3d: {  	v27 =	vperm.xlane v20, v2;
	v28 =	vperm.xlane v24, v2  }
0x3e: {  	v29 =	vperm.xlane v25, v2;
	v50 =	vadd.f32 v23, v26  }
0x3f: {  	v20 =	vadd.f32 v20, v27;
	v23 =	vadd.f32 v24, v28  }
0x40: {  	v24 =	vadd.f32 v25, v29;
	v25 =	vshrl.u32 v50, $0x1;
	v26 =	vmul.f32 $5.000000000e-01, v50  }
0x41: {  	v27 =	vperm.xlane v20, v3;
	v28 =	vperm.xlane v23, v3;
	v25 =	vsub.s32 $0x5F3759DF, v25  }
0x42: {  	v29 =	vperm.xlane v24, v3;
	v33 =	vmul.f32 v25, v26  }
0x43: {  	v20 =	vadd.f32 v20, v27;
	v23 =	vadd.f32 v23, v28  }
0x44: {  	v24 =	vadd.f32 v24, v29;
	v27 =	vmul.f32 v25, v33  }
0x45: {  	v28 =	vperm.xlane v20, v4;
	v29 =	vperm.xlane v23, v4  }
0x46: {  	v51 =	vperm.xlane v24, v4;
	v27 =	vsub.f32 $1.500000000e+00, v27  }
0x47: {  	s28 =	simm.s32 $0x0;
	v20 =	vadd.f32 v20, v28;
	v23 =	vadd.f32 v23, v29  }
0x48: {  	v28 =	vmov s28;
	v34 =	vadd.f32 v24, v51;
	v24 =	vmul.f32 v25, v27  }
0x49: {  	v29 =	vmul.f32 $5.000000000e-01, v20;
	v25 =	vshrl.u32 v20, $0x1;
	v27 =	vshrl.u32 v23, $0x1  }
0x4a: {  	v38 =	vmul.f32 $5.000000000e-01, v23;
	v33 =	vshrl.u32 v34, $0x1;
	v35 =	vmul.f32 v24, v26  }
0x4b: {  	v39 =	vmul.f32 $5.000000000e-01, v34;
	v25 =	vsub.s32 $0x5F3759DF, v25;
	v36 =	vsub.s32 $0x5F3759DF, v27  }
0x4c: {  	v33 =	vsub.s32 $0x5F3759DF, v33;
	v27 =	vmul.f32 v25, v29;
	v35 =	vmul.f32 v35, v24  }
0x4d: {  	v37 =	vand.u32 $0x7C, v28;
	v28 =	vmul.f32 v36, v38;
	v40 =	vmul.f32 v33, v39  }
0x4e: {  	vm0 =	vgt.f32 v20, $9.999799720e-01;
	v20 =	vmul.f32 v25, v27;
	v27 =	vsub.f32 $1.500000000e+00, v35  }
0x4f: {  	s29 =	simm.s32 $0x1;
	vm1 =	vgt.f32 v23, $9.999799720e-01;
	v23 =	vmul.f32 v36, v28;
	v52 =	vmul.f32 v33, v40  }
0x50: {  	s30 =	simm.s32 $0x3;
	v53 =	vmov s29;
	v20 =	vsub.f32 $1.500000000e+00, v20;
	v41 =	vmul.f32 v27, v24  }
0x51: {  	v56 =	vmov s30;
	v23 =	vsub.f32 $1.500000000e+00, v23;
	v35 =	vsub.f32 $1.500000000e+00, v52  }
0x52: {  	v44 =	vand.u32 $0x7F, v56;
	v20 =	vmul.f32 v25, v20;
	v26 =	vmul.f32 v41, v26  }
0x53: {  	v28 =	vadd.s32 v1, v37;
	v36 =	vmul.f32 v36, v23;
	v35 =	vmul.f32 v33, v35  }
0x54: {  	v27 =	vadd.s32 v5, v37;
	v23 =	vmul.f32 v20, v29;
	v54 =	vmul.f32 v26, v41  }
0x55: {  	v24 =	vadd.s32 v6, v37;
	v25 =	vadd.s32 v7, v37;
	v42 =	vmul.f32 v36, v38  }
0x56: {  	v55 =	vmul.f32 v35, v39;
	v43 =	vmul.f32 v23, v20;
	v37 =	vsub.f32 $1.500000000e+00, v54  }
0x57: {  	v57 =	vadd.s32 v1, v44;
	v58 =	vadd.s32 v5, v44;
	v42 =	vmul.f32 v42, v36  }
0x58: {  	v40 =	vmul.f32 v55, v35;
	v43 =	vsub.f32 $1.500000000e+00, v43;
	v41 =	vmul.f32 v37, v41  }
0x59: {  	v60 =	vadd.s32 v6, v44;
	v33 =	vand.u32 $0x7D, v53;
	v42 =	vsub.f32 $1.500000000e+00, v42  }
0x5a: {  	v40 =	vsub.f32 $1.500000000e+00, v40;
	v37 =	vmul.f32 v43, v20;
	v20 =	vmul.f32 $9.999899860e-01, v41  }
0x5b: {  	v44 =	vadd.s32 v7, v44;
	vm2 =	vgt.f32 v50, $9.999799720e-01;
	v26 =	vadd.s32 v1, v33  }
0x5c: {  	s24 =	simm.s32 $0x1A80;
	v36 =	vmul.f32 v42, v36;
	v35 =	vmul.f32 v40, v35;
	v59 =	vnsel vm2, $0x3F800000, v20  }
0x5d: {  	v23 =	vadd.s32 v5, v33;
	v61 =	vmul.f32 v37, v29;
	v20 =	vld [tilespmem:s24+$0x40];
	v45 =	vmul.f32 v59, v21  }
0x5e: {  	s31 =	simm.s32 $0x2;
	v38 =	vmul.f32 v36, v38;
	v29 =	vadd.s32 v6, v33;
	v21 =	vld [tilespmem:s24+$0x50];
	v47 =	vmul.f32 v59, v31  }
0x5f: {  	v63 =	vmov s31;
	v62 =	vmul.f32 v35, v39;
	v31 =	vld [tilespmem:s24+$0xFFFFFF90];
	v48 =	vmul.f32 v59, v22;
	[tilespmem:v57+s15+$0x0] =	vst.idx.msk $0xffff, v45  }
0x60: {  	v39 =	vand.u32 $0x7E, v63;
	v40 =	vmul.f32 v61, v37;
	v22 =	vld [tilespmem:s24+$0x60];
	v46 =	vmul.f32 v59, v30;
	[tilespmem:v58+s15+$0x0] =	vst.idx.msk $0xffff, v47  }
0x61: {  	s23 =	simm.s32 $0x4;
	s25 =	simm.s32 $0x8;
	s22 =	sshll.u32 s21, $0xA;
	vm2 =	vgt.f32 v34, $9.999799720e-01;
	v42 =	vmul.f32 v38, v36;
	v38 =	vmul.f32 v62, v35;
	v30 =	vld [tilespmem:s24+$0xFFFFFFC0];
	[tilespmem:v60+s15+$0x0] =	vst.idx.msk $0xffff, v48  }
.LBB2_3:
0x62: {  	p1 =	slt.u32 s25, $0x7C;
	v32 =	vld [tilespmem:s24+$0x70];
	v40 =	vsub.f32 $1.500000000e+00, v40;
	v34 =	vadd.s32 v7, v33;
	v33 =	vadd.s32 v1, v39;
	[tilespmem:v44+s15+$0x0] =	vst.idx.msk $0xffff, v46  }
0x63: {  	v43 =	vmul.f32 v20, v20;
	v41 =	vld [tilespmem:s24+$0xFFFFFFD0];
	v44 =	vmul.f32 v21, v21;
	v42 =	vsub.f32 $1.500000000e+00, v42  }
0x64: {  	v38 =	vsub.f32 $1.500000000e+00, v38;
	v45 =	vmul.f32 v31, v31;
	v46 =	vld [tilespmem:s24+$0x0];
	v37 =	vmul.f32 v40, v37  }
0x65: {  	v40 =	vld [tilespmem:s24+$0x10];
	v43 =	vadd.f32 v44, v43;
	v44 =	vmul.f32 v22, v22;
	v36 =	vmul.f32 v42, v36  }
0x66: {  	v38 =	vmul.f32 v38, v35;
	v35 =	vadd.s32 v5, v39;
	v42 =	vld [tilespmem:s24+$0xFFFFFF80];
	v47 =	vmul.f32 v30, v30  }
0x67: {  	v37 =	vmul.f32 $9.999899860e-01, v37;
	v48 =	vld [tilespmem:s24+$0xFFFFFFA0];
	v43 =	vadd.f32 v44, v43;
	v44 =	vmul.f32 v32, v32  }
0x68: {  	v51 =	vmul.f32 $9.999899860e-01, v36;
	v36 =	vadd.s32 v6, v39;
	v49 =	vld [tilespmem:s24+$0xFFFFFFE0];
	v50 =	vmul.f32 v41, v41  }
0x69: {  	v38 =	vmul.f32 $9.999899860e-01, v38;
	v52 =	vld [tilespmem:s24+$0x20];
	v53 =	vmul.f32 v46, v46;
	v43 =	vadd.f32 v44, v43  }
0x6a: {  	v37 =	vnsel vm0, $0x3F800000, v37;
	v44 =	vld [tilespmem:s24+$0xFFFFFFB0];
	v47 =	vadd.f32 v50, v47;
	v50 =	vmul.f32 v40, v40  }
0x6b: {  	v51 =	vnsel vm1, $0x3F800000, v51;
	v54 =	vmul.f32 v42, v42;
	v55 =	vld [tilespmem:s24+$0xFFFFFFF0];
	v56 =	vperm.xlane v43, v0  }
0x6c: {  	v38 =	vnsel vm2, $0x3F800000, v38;
	v57 =	vmul.f32 v48, v48;
	v58 =	vld [tilespmem:s24+$0x30];
	v50 =	vadd.f32 v50, v53  }
0x6d: {  	v45 =	vadd.f32 v45, v54;
	v53 =	vmul.f32 v49, v49;
	v43 =	vadd.f32 v43, v56  }
0x6e: {  	v39 =	vadd.s32 v7, v39;
	v56 =	vmul.f32 v37, v18;
	v18 =	vmovc v42;
	v54 =	vmul.f32 v52, v52  }
0x6f: {  	v42 =	vadd.f32 v57, v45;
	v45 =	vadd.f32 v53, v47;
	v47 =	vperm.xlane v43, v2  }
0x70: {  	v53 =	vmul.f32 v44, v44;
	v57 =	vmul.f32 v55, v55;
	v50 =	vadd.f32 v54, v50  }
0x71: {  	v54 =	vmul.f32 v58, v58;
	v43 =	vadd.f32 v43, v47;
	v47 =	vmul.f32 v37, v16;
	v16 =	vmovc v31  }
0x72: {  	v31 =	vadd.f32 v53, v42;
	v42 =	vadd.f32 v57, v45;
	v45 =	vmul.f32 v37, v17;
	v17 =	vmovc v48  }
0x73: {  	v37 =	vmul.f32 v37, v19;
	v19 =	vmovc v44;
	v48 =	vadd.f32 v54, v50;
	v50 =	vperm.xlane v43, v3  }
0x74: {  	v44 =	vperm.xlane v31, v0;
	v53 =	vperm.xlane v42, v0;
	[tilespmem:v28+s15+$0x0] =	vst.idx.msk $0xffff, v56  }
0x75: {  	v28 =	vperm.xlane v48, v0;
	v43 =	vadd.f32 v43, v50;
	v50 =	vmul.f32 v51, v14;
	v14 =	vmovc v30  }
0x76: {  	v31 =	vadd.f32 v31, v44;
	v44 =	vmul.f32 v51, v12;
	v12 =	vmovc v41;
	v42 =	vadd.f32 v42, v53  }
0x77: {  	v41 =	vmul.f32 v51, v13;
	v13 =	vmovc v49;
	v28 =	vadd.f32 v48, v28;
	v30 =	vperm.xlane v43, v4  }
0x78: {  	v48 =	vperm.xlane v31, v2;
	v49 =	vperm.xlane v42, v2;
	[tilespmem:v27+s15+$0x0] =	vst.idx.msk $0xffff, v47  }
0x79: {  	v27 =	vperm.xlane v28, v2;
	v30 =	vadd.f32 v43, v30;
	v43 =	vmul.f32 v51, v15;
	v15 =	vmovc v55  }
0x7a: {  	v47 =	vmul.f32 v38, v10;
	v10 =	vmovc v46;
	v31 =	vadd.f32 v31, v48;
	v42 =	vadd.f32 v42, v49  }
0x7b: {  	v27 =	vadd.f32 v28, v27;
	v28 =	vshrl.u32 v30, $0x1;
	v46 =	vmul.f32 $5.000000000e-01, v30;
	[tilespmem:v24+s15+$0x0] =	vst.idx.msk $0xffff, v45  }
0x7c: {  	v24 =	vperm.xlane v31, v3;
	v45 =	vperm.xlane v42, v3;
	v28 =	vsub.s32 $0x5F3759DF, v28;
	[tilespmem:v25+s15+$0x0] =	vst.idx.msk $0xffff, v37  }
0x7d: {  	v25 =	vperm.xlane v27, v3;
	v37 =	vmul.f32 v28, v46;
	[tilespmem:v26+s15+$0x0] =	vst.idx.msk $0xffff, v50  }
0x7e: {  	v24 =	vadd.f32 v31, v24;
	v31 =	vmul.f32 v38, v8;
	v8 =	vmovc v40;
	v26 =	vadd.f32 v42, v45  }
0x7f: {  	v25 =	vadd.f32 v27, v25;
	v27 =	vmul.f32 v28, v37;
	v37 =	vmul.f32 v38, v9;
	v9 =	vmovc v52  }
0x80: {  	v40 =	vperm.xlane v24, v4;
	v42 =	vperm.xlane v26, v4;
	[tilespmem:v23+s15+$0x0] =	vst.idx.msk $0xffff, v44  }
0x81: {  	v23 =	vperm.xlane v25, v4;
	v27 =	vsub.f32 $1.500000000e+00, v27;
	[tilespmem:v29+s15+$0x0] =	vst.idx.msk $0xffff, v41;
	v29 =	vmul.f32 v38, v11  }
0x82: {  	v24 =	vadd.f32 v24, v40;
	v38 =	vmov s23;
	v11 =	vmovc v58;
	v26 =	vadd.f32 v26, v42;
	[tilespmem:v34+s15+$0x0] =	vst.idx.msk $0xffff, v43  }
0x83: {  	v34 =	vand.u32 $0x7C, v38;
	v23 =	vadd.f32 v25, v23;
	v25 =	vmul.f32 v28, v27;
	[tilespmem:v33+s15+$0x0] =	vst.idx.msk $0xffff, v47  }
0x84: {  	v27 =	vshrl.u32 v24, $0x1;
	v38 =	vmul.f32 $5.000000000e-01, v24;
	v28 =	vshrl.u32 v26, $0x1;
	[tilespmem:v35+s15+$0x0] =	vst.idx.msk $0xffff, v31  }
0x85: {  	v31 =	vmul.f32 $5.000000000e-01, v26;
	v33 =	vshrl.u32 v23, $0x1;
	v35 =	vmul.f32 v25, v46;
	[tilespmem:v36+s15+$0x0] =	vst.idx.msk $0xffff, v37  }
0x86: {  	v27 =	vsub.s32 $0x5F3759DF, v27;
	v36 =	vsub.s32 $0x5F3759DF, v28;
	v40 =	vmul.f32 $5.000000000e-01, v23;
	[tilespmem:v39+s15+$0x0] =	vst.idx.msk $0xffff, v29  }
0x87: {  	v28 =	vmul.f32 v27, v38;
	v29 =	vsub.s32 $0x5F3759DF, v33;
	v33 =	vmul.f32 v35, v25  }
0x88: {  	vm0 =	vgt.f32 v24, $9.999799720e-01;
	v24 =	vmul.f32 v36, v31;
	v35 =	vmul.f32 v29, v40  }
0x89: {  	vm1 =	vgt.f32 v26, $9.999799720e-01;
	v28 =	vmul.f32 v27, v28;
	v26 =	vsub.f32 $1.500000000e+00, v33  }
0x8a: {  	s26 =	sadd.s32 $0x1, s23;
	vm2 =	vgt.f32 v23, $9.999799720e-01;
	v24 =	vmul.f32 v36, v24;
	v33 =	vmul.f32 v29, v35  }
0x8b: {  	v23 =	vsub.f32 $1.500000000e+00, v28;
	v35 =	vmov s26;
	v37 =	vmul.f32 v26, v25  }
0x8c: {  	v28 =	vadd.s32 v1, v34;
	v25 =	vsub.f32 $1.500000000e+00, v24;
	v26 =	vsub.f32 $1.500000000e+00, v33  }
0x8d: {  	v39 =	vmul.f32 v27, v23;
	v27 =	vadd.s32 v5, v34;
	v23 =	vmul.f32 v37, v46  }
0x8e: {  	v24 =	vadd.s32 v6, v34;
	v36 =	vmul.f32 v36, v25;
	v29 =	vmul.f32 v29, v26  }
0x8f: {  	v26 =	vmul.f32 v39, v38;
	v25 =	vadd.s32 v7, v34;
	v23 =	vmul.f32 v23, v37  }
0x90: {  	v33 =	vand.u32 $0x7D, v35;
	v34 =	vmul.f32 v36, v31;
	v35 =	vmul.f32 v29, v40  }
0x91: {  	v41 =	vmul.f32 v26, v39;
	v26 =	vadd.s32 v1, v33;
	v42 =	vsub.f32 $1.500000000e+00, v23  }
0x92: {  	s26 =	sadd.s32 $0x3, s23;
	v34 =	vmul.f32 v34, v36;
	v23 =	vadd.s32 v5, v33;
	v35 =	vmul.f32 v35, v29  }
0x93: {  	v41 =	vsub.f32 $1.500000000e+00, v41;
	v42 =	vmul.f32 v42, v37;
	v37 =	vmov s26  }
0x94: {  	v34 =	vsub.f32 $1.500000000e+00, v34;
	v35 =	vsub.f32 $1.500000000e+00, v35;
	v43 =	vand.u32 $0x7F, v37  }
0x95: {  	v37 =	vmul.f32 v41, v39;
	v39 =	vmul.f32 $9.999899860e-01, v42;
	v41 =	vadd.s32 v1, v43  }
0x96: {  	vm3 =	vgt.f32 v30, $9.999799720e-01;
	v36 =	vmul.f32 v34, v36;
	v30 =	vadd.s32 v5, v43  }
0x97: {  	s24 =	sadd.s32 $0x100, s24;
	v35 =	vmul.f32 v35, v29;
	v45 =	vadd.s32 v6, v43;
	v34 =	vnsel vm3, $0x3F800000, v39  }
.Ltmp2:
0x98: {  	v44 =	vadd.s32 v7, v43;
	v38 =	vmul.f32 v37, v38;
	v39 =	vmul.f32 v34, v20;
	v20 =	vld [tilespmem:s24+$0x40];
	(pc) =	sbr.rel @p1 .LBB2_3-.Ltmp2, $4  }
0x99: {  	v29 =	vadd.s32 v6, v33;
	v42 =	vmul.f32 v36, v31;
	v43 =	vmul.f32 v34, v21;
	v21 =	vld [tilespmem:s24+$0x50]  }
0x9a: {  	s26 =	sadd.s32 $0x2, s23;
	s23 =	smov.u32 s25;
	v47 =	vmul.f32 v35, v40;
	v48 =	vmul.f32 v34, v22;
	v31 =	vld [tilespmem:s24+$0xFFFFFF90];
	[tilespmem:v41+s15+$0x0] =	vst.idx.msk $0xffff, v39  }
0x9b: {  	v40 =	vmul.f32 v38, v37;
	v46 =	vmul.f32 v34, v32;
	v39 =	vmov s26;
	v22 =	vld [tilespmem:s24+$0x60];
	[tilespmem:v30+s15+$0x0] =	vst.idx.msk $0xffff, v43  }
0x9c: {  	s25 =	sadd.s32 $0x4, s25;
	v42 =	vmul.f32 v42, v36;
	v38 =	vmul.f32 v47, v35;
	v39 =	vand.u32 $0x7E, v39;
	v30 =	vld [tilespmem:s24+$0xFFFFFFC0];
	[tilespmem:v45+s15+$0x0] =	vst.idx.msk $0xffff, v48  }
0x9d: {  	v32 =	vld [tilespmem:s24+$0x0];
	_ =	sdelay $0x1  }
0x9e: {  	v43 =	vld [tilespmem:s24+$0x70]  }
0x9f: {  	v34 =	vld [tilespmem:s24+$0xFFFFFFD0];
	v45 =	vmul.f32 v20, v20;
	v33 =	vadd.s32 v7, v33;
	v47 =	vmul.f32 v21, v21  }
0xa0: {  	v41 =	vld [tilespmem:s24+$0xFFFFFF80];
	[tilespmem:$0x1FFE0] =	vst v33  }
0xa1: {  	v49 =	vsub.f32 $1.500000000e+00, v40;
	v47 =	vadd.f32 v47, v45;
	v48 =	vmul.f32 v22, v22;
	[tilespmem:$0x1FFF0] =	vst v32  }
0xa2: {  	v42 =	vsub.f32 $1.500000000e+00, v42;
	v62 =	vsub.f32 $1.500000000e+00, v38;
	v50 =	vmul.f32 v31, v31;
	v40 =	vld [tilespmem:s24+$0xFFFFFFA0]  }
0xa3: {  	v49 =	vmul.f32 v49, v37;
	v47 =	vadd.f32 v48, v47;
	v61 =	vmul.f32 v43, v43;
	v45 =	vld [tilespmem:s24+$0x10]  }
0xa4: {  	v51 =	vmul.f32 v42, v36;
	v54 =	vmul.f32 v62, v35;
	v42 =	vld [tilespmem:s24+$0xFFFFFFB0]  }
0xa5: {  	v52 =	vmul.f32 v30, v30;
	v49 =	vmul.f32 $9.999899860e-01, v49;
	v36 =	vld [tilespmem:s24+$0xFFFFFFE0];
	v53 =	vadd.f32 v61, v47  }
0xa6: {  	v63 =	vmul.f32 v41, v41;
	v55 =	vmul.f32 v34, v34;
	v35 =	vld [tilespmem:s24+$0x20]  }
0xa7: {  	v58 =	vmul.f32 v32, v32;
	v38 =	vld [tilespmem:s24+$0xFFFFFFF0];
	v56 =	vperm.xlane v53, v0  }
0xa8: {  	v51 =	vmul.f32 $9.999899860e-01, v51;
	v37 =	vld [tilespmem:s24+$0x30];
	v50 =	vadd.f32 v50, v63;
	v57 =	vmul.f32 v40, v40  }
0xa9: {  	v52 =	vadd.f32 v55, v52;
	v59 =	vmul.f32 v45, v45;
	v53 =	vadd.f32 v53, v56  }
0xaa: {  	v33 =	vmul.f32 v42, v42;
	v60 =	vmul.f32 v36, v36;
	v50 =	vadd.f32 v57, v50  }
0xab: {  	v63 =	vmul.f32 v35, v35;
	v61 =	vadd.f32 v59, v58;
	v62 =	vperm.xlane v53, v2  }
0xac: {  	v32 =	vmul.f32 v38, v38;
	v52 =	vadd.f32 v60, v52;
	v50 =	vadd.f32 v33, v50  }
0xad: {  	v60 =	vmul.f32 v37, v37;
	v53 =	vadd.f32 v53, v62;
	v56 =	vadd.f32 v63, v61  }
0xae: {  	v54 =	vmul.f32 $9.999899860e-01, v54;
	v52 =	vadd.f32 v32, v52;
	v33 =	vperm.xlane v50, v0  }
0xaf: {  	v49 =	vnsel vm0, $0x3F800000, v49;
	v61 =	vperm.xlane v53, v3;
	v56 =	vadd.f32 v60, v56  }
0xb0: {  	v51 =	vnsel vm1, $0x3F800000, v51;
	v62 =	vperm.xlane v52, v0;
	v50 =	vadd.f32 v50, v33  }
0xb1: {  	v18 =	vmul.f32 v49, v18;
	v53 =	vadd.f32 v53, v61;
	v32 =	vperm.xlane v56, v0  }
0xb2: {  	v16 =	vmul.f32 v49, v16;
	v52 =	vadd.f32 v52, v62;
	v63 =	vperm.xlane v50, v2  }
0xb3: {  	v17 =	vmul.f32 v49, v17;
	v33 =	vperm.xlane v53, v4;
	v60 =	vadd.f32 v56, v32  }
0xb4: {  	v19 =	vmul.f32 v49, v19;
	v61 =	vperm.xlane v52, v2;
	v50 =	vadd.f32 v50, v63  }
0xb5: {  	v15 =	vmul.f32 v51, v15;
	v49 =	vadd.f32 v53, v33;
	v63 =	vperm.xlane v60, v2  }
0xb6: {  	v33 =	vmul.f32 v51, v14;
	v52 =	vadd.f32 v52, v61;
	v62 =	vperm.xlane v50, v3  }
0xb7: {  	v14 =	vshrl.u32 v49, $0x1;
	v58 =	vmul.f32 $5.000000000e-01, v49;
	v53 =	vadd.f32 v60, v63  }
0xb8: {  	v32 =	vperm.xlane v52, v3;
	v56 =	vsub.s32 $0x5F3759DF, v14;
	v50 =	vadd.f32 v50, v62  }
0xb9: {  	v59 =	vmul.f32 v56, v58;
	v61 =	vperm.xlane v53, v3  }
0xba: {  	v14 =	vmul.f32 v51, v12;
	v52 =	vadd.f32 v52, v32;
	v60 =	vperm.xlane v50, v4  }
0xbb: {  	v32 =	vmul.f32 v51, v13;
	v63 =	vmul.f32 v56, v59;
	v51 =	vadd.f32 v53, v61  }
0xbc: {  	v12 =	vperm.xlane v52, v4;
	v50 =	vadd.f32 v50, v60  }
0xbd: {  	v54 =	vnsel vm2, $0x3F800000, v54;
	v55 =	vsub.f32 $1.500000000e+00, v63;
	v61 =	vperm.xlane v51, v4  }
0xbe: {  	v52 =	vadd.f32 v52, v12;
	v13 =	vshrl.u32 v50, $0x1;
	v60 =	vmul.f32 $5.000000000e-01, v50  }
0xbf: {  	v12 =	vmul.f32 v54, v8;
	v55 =	vmul.f32 v56, v55;
	v53 =	vsub.s32 $0x5F3759DF, v13  }
0xc0: {  	v48 =	vadd.s32 v5, v39;
	v59 =	vmul.f32 $5.000000000e-01, v52;
	v56 =	vmul.f32 v53, v60  }
0xc1: {  	v13 =	vmul.f32 v54, v10;
	v10 =	vshrl.u32 v52, $0x1;
	v62 =	vmul.f32 v55, v58  }
0xc2: {  	v51 =	vadd.f32 v51, v61;
	v61 =	vsub.s32 $0x5F3759DF, v10;
	v56 =	vmul.f32 v53, v56  }
0xc3: {  	v47 =	vadd.s32 v1, v39;
	v8 =	vmul.f32 v61, v59;
	v62 =	vmul.f32 v62, v55  }
0xc4: {  	v11 =	vmul.f32 v54, v11;
	[tilespmem:v28+s15+$0x0] =	vst.idx.msk $0xffff, v18;
	v18 =	vadd.s32 v7, v39;
	v56 =	vsub.f32 $1.500000000e+00, v56  }
0xc5: {  	v10 =	vmul.f32 v54, v9;
	v8 =	vmul.f32 v61, v8;
	v62 =	vsub.f32 $1.500000000e+00, v62  }
0xc6: {  	v63 =	vshrl.u32 v51, $0x1;
	v9 =	vmul.f32 $5.000000000e-01, v51;
	v53 =	vmul.f32 v53, v56  }
0xc7: {  	[tilespmem:v44+s15+$0x0] =	vst.idx.msk $0xffff, v46;
	v63 =	vsub.s32 $0x5F3759DF, v63;
	v8 =	vsub.f32 $1.500000000e+00, v8;
	v44 =	vmul.f32 v62, v55  }
0xc8: {  	[tilespmem:v27+s15+$0x0] =	vst.idx.msk $0xffff, v16;
	v54 =	vmov s23;
	v56 =	vmul.f32 v63, v9;
	v55 =	vmul.f32 v53, v60  }
0xc9: {  	[tilespmem:v24+s15+$0x0] =	vst.idx.msk $0xffff, v17;
	v28 =	vand.u32 $0x7C, v54;
	v8 =	vmul.f32 v61, v8;
	v54 =	vmul.f32 v44, v58  }
0xca: {  	[tilespmem:v25+s15+$0x0] =	vst.idx.msk $0xffff, v19;
	v56 =	vmul.f32 v63, v56;
	v62 =	vmul.f32 v55, v53  }
0xcb: {  	s30 =	sadd.s32 $0x1, s23;
	v57 =	vadd.s32 v6, v39;
	v55 =	vmul.f32 v8, v59;
	v39 =	vmul.f32 v54, v44  }
0xcc: {  	[tilespmem:v26+s15+$0x0] =	vst.idx.msk $0xffff, v33;
	v61 =	vmov s30;
	v27 =	vsub.f32 $1.500000000e+00, v62  }
0xcd: {  	[tilespmem:v23+s15+$0x0] =	vst.idx.msk $0xffff, v14;
	v46 =	vsub.f32 $1.500000000e+00, v56;
	v25 =	vmul.f32 v55, v8;
	v58 =	vsub.f32 $1.500000000e+00, v39  }
0xce: {  	[tilespmem:v29+s15+$0x0] =	vst.idx.msk $0xffff, v32;
	v16 =	vand.u32 $0x7D, v61;
	v27 =	vmul.f32 v27, v53  }
0xcf: {  	v24 =	vmul.f32 v63, v46;
	v61 =	vsub.f32 $1.500000000e+00, v25;
	v63 =	vmul.f32 v58, v44;
	v44 =	vld [tilespmem:$0x1FFE0]  }
0xd0: {  	s31 =	sadd.s32 $0x3, s23;
	v17 =	vadd.s32 v1, v28;
	v19 =	vadd.s32 v5, v28;
	v62 =	vmul.f32 v27, v60  }
0xd1: {  	v14 =	vadd.s32 v1, v16;
	v39 =	vmov s31;
	v8 =	vmul.f32 v61, v8  }
0xd2: {  	v56 =	vmul.f32 v24, v9;
	v53 =	vand.u32 $0x7F, v39;
	v54 =	vmul.f32 v62, v27  }
0xd3: {  	v46 =	vadd.s32 v6, v28;
	v58 =	vadd.s32 v1, v53;
	v60 =	vmul.f32 v8, v59  }
0xd4: {  	[tilespmem:v47+s15+$0x0] =	vst.idx.msk $0xffff, v13;
	v26 =	vmul.f32 v56, v24;
	v56 =	vmul.f32 $9.999899860e-01, v63;
	v23 =	vsub.f32 $1.500000000e+00, v54  }
0xd5: {  	vm12 =	vgt.f32 v49, $9.999799720e-01;
	[tilespmem:v48+s15+$0x0] =	vst.idx.msk $0xffff, v12;
	v61 =	vadd.s32 v5, v53;
	v12 =	vmul.f32 v60, v8  }
0xd6: {  	[tilespmem:v57+s15+$0x0] =	vst.idx.msk $0xffff, v10;
	v63 =	vadd.s32 v6, v53;
	v62 =	vnsel vm12, $0x3F800000, v56;
	v23 =	vmul.f32 v23, v27  }
0xd7: {  	[tilespmem:v44+s15+$0x0] =	vst.idx.msk $0xffff, v15;
	v27 =	vmul.f32 v62, v20;
	v15 =	vadd.s32 v7, v53;
	v32 =	vsub.f32 $1.500000000e+00, v12  }
0xd8: {  	[tilespmem:v18+s15+$0x0] =	vst.idx.msk $0xffff, v11;
	v55 =	vsub.f32 $1.500000000e+00, v26;
	v29 =	vmul.f32 v62, v21;
	v33 =	vmul.f32 $9.999899860e-01, v23  }
0xd9: {  	vm13 =	vgt.f32 v50, $9.999799720e-01;
	v39 =	vmul.f32 v62, v22;
	[tilespmem:v58+s15+$0x0] =	vst.idx.msk $0xffff, v27;
	v8 =	vmul.f32 v32, v8  }
0xda: {  	v43 =	vmul.f32 v62, v43;
	v13 =	vmul.f32 v55, v24;
	[tilespmem:v61+s15+$0x0] =	vst.idx.msk $0xffff, v29;
	v44 =	vnsel vm13, $0x3F800000, v33  }
0xdb: {  	v28 =	vadd.s32 v7, v28;
	[tilespmem:v63+s15+$0x0] =	vst.idx.msk $0xffff, v39;
	v8 =	vmul.f32 $9.999899860e-01, v8;
	v12 =	vmul.f32 v44, v41  }
0xdc: {  	vm14 =	vgt.f32 v52, $9.999799720e-01;
	v47 =	vadd.s32 v5, v16;
	[tilespmem:v15+s15+$0x0] =	vst.idx.msk $0xffff, v43;
	v48 =	vmul.f32 v44, v31  }
0xdd: {  	v9 =	vmul.f32 v13, v9;
	v52 =	vmul.f32 v44, v40;
	v8 =	vnsel vm14, $0x3F800000, v8;
	[tilespmem:v17+s15+$0x0] =	vst.idx.msk $0xffff, v12  }
0xde: {  	v55 =	vmul.f32 v8, v30;
	[tilespmem:v19+s15+$0x0] =	vst.idx.msk $0xffff, v48  }
0xdf: {  	v9 =	vmul.f32 v9, v13;
	v10 =	vmul.f32 v44, v42;
	[tilespmem:v46+s15+$0x0] =	vst.idx.msk $0xffff, v52  }
0xe0: {  	v57 =	vmul.f32 v8, v34;
	[tilespmem:v14+s15+$0x0] =	vst.idx.msk $0xffff, v55  }
0xe1: {  	v9 =	vsub.f32 $1.500000000e+00, v9;
	[tilespmem:v28+s15+$0x0] =	vst.idx.msk $0xffff, v10  }
0xe2: {  	s25 =	sadd.s32 $0x2, s23;
	[tilespmem:v47+s15+$0x0] =	vst.idx.msk $0xffff, v57  }
0xe3: {  	v50 =	vmov s25;
	v49 =	vadd.s32 v6, v16;
	v9 =	vmul.f32 v9, v13;
	v62 =	vld [tilespmem:$0x1FFF0]  }
0xe4: {  	v54 =	vadd.s32 v7, v16;
	v53 =	vand.u32 $0x7E, v50  }
0xe5: {  	v56 =	vadd.s32 v1, v53;
	v9 =	vmul.f32 $9.999899860e-01, v9  }
0xe6: {  	vm15 =	vgt.f32 v51, $9.999799720e-01;
	v58 =	vadd.s32 v5, v53;
	v59 =	vmul.f32 v8, v36  }
0xe7: {  	v60 =	vadd.s32 v6, v53;
	v8 =	vmul.f32 v8, v38;
	v9 =	vnsel vm15, $0x3F800000, v9  }
0xe8: {  	v61 =	vadd.s32 v7, v53;
	[tilespmem:v49+s15+$0x0] =	vst.idx.msk $0xffff, v59;
	v12 =	vmul.f32 v9, v62  }
0xe9: {  	v63 =	vmul.f32 v9, v45;
	[tilespmem:v54+s15+$0x0] =	vst.idx.msk $0xffff, v8  }
0xea: {  	v8 =	vmul.f32 v9, v35;
	[tilespmem:v56+s15+$0x0] =	vst.idx.msk $0xffff, v12  }
0xeb: {  	s26 =	sshll.u32 s21, $0x10;
	v9 =	vmul.f32 v9, v37;
	[tilespmem:v58+s15+$0x0] =	vst.idx.msk $0xffff, v63  }
0xec: {  	s23 =	sor.u32 s6, s26;
	[tilespmem:v60+s15+$0x0] =	vst.idx.msk $0xffff, v8  }
0xed: {  	s25 =	sadd.s32 s2, s23;
	s30 =	simm.s32 $0x5900;
	[tilespmem:v61+s15+$0x0] =	vst.idx.msk $0xffff, v9  }
0xee: {  	[hbm4b:s25+s3] =	stream.linear.scatter [tilespmem:s30], [sflag:$0x3], $0x80, $0x38;
	[tilespmem:$0x9D00] =	vst v63  }
0xef: {  	s26 =	sadd.s32 $0x10, s25;
	s31 =	simm.s32 $0x5988  }
0xf0: {  	[hbm4b:s26+s3] =	stream.linear.scatter [tilespmem:s31], [sflag:$0x3], $0x80, $0x38;
	[tilespmem:$0x9D00] =	vst v63  }
0xf1: {  	s28 =	simm.s32 $0x5CB8;
	s30 =	simm.s32 $0x5A10;
	s31 =	sadd.s32 $0x20, s25  }
0xf2: {  	[hbm4b:s31+s3] =	stream.linear.scatter [tilespmem:s30], [sflag:$0x3], $0x80, $0x38;
	[tilespmem:$0x9D00] =	vst v63  }
0xf3: {  	s24 =	simm.s32 $0x440;
	s30 =	simm.s32 $0x5A98;
	s31 =	sadd.s32 $0x30, s25  }
0xf4: {  	[hbm4b:s31+s3] =	stream.linear.scatter [tilespmem:s30], [sflag:$0x3], $0x80, $0x38;
	[tilespmem:$0x9D00] =	vst v63  }
0xf5: {  	s29 =	sadd.s32 $0x70, s25;
	s30 =	simm.s32 $0x5B20;
	s31 =	sadd.s32 $0x40, s25  }
0xf6: {  	[hbm4b:s31+s3] =	stream.linear.scatter [tilespmem:s30], [sflag:$0x3], $0x80, $0x38;
	[tilespmem:$0x9D00] =	vst v63  }
0xf7: {  	s26 =	simm.s32 $0x2200;
	s30 =	simm.s32 $0x5BA8;
	s31 =	sadd.s32 $0x50, s25  }
0xf8: {  	[hbm4b:s31+s3] =	stream.linear.scatter [tilespmem:s30], [sflag:$0x3], $0x80, $0x38;
	[tilespmem:$0x9D00] =	vst v63  }
0xf9: {  	s30 =	simm.s32 $0x5C30;
	s31 =	sadd.s32 $0x60, s25;
	s25 =	sadd.s32 $0x1000, s25  }
0xfa: {  	[hbm4b:s31+s3] =	stream.linear.scatter [tilespmem:s30], [sflag:$0x3], $0x80, $0x38;
	[tilespmem:$0x9D00] =	vst v63  }
.LBB2_5:
0xfb: {  	[hbm4b:s29+s3] =	stream.linear.scatter [tilespmem:s28], [sflag:$0x3], $0x80, $0x38;
	[tilespmem:$0x9D00] =	vst v63  }
0xfc: {  	s28 =	smov.u32 s24;
	s24 =	smov.u32 s26  }
0xfd: {  	s30 =	sadd.s32 $0x1100, s26;
	s24 =	sshra.s32 s24, $0x2;
	s29 =	sadd.s32 $0x5900, s28  }
0xfe: {  	[hbm4b:s25+s3] =	stream.linear.scatter [tilespmem:s29], [sflag:$0x3], $0x80, $0x38;
	[tilespmem:$0x9D00] =	vst v63  }
0xff: {  	p1 =	sne.s32 s26, $0x7700;
	s26 =	sadd.s32 $0x5988, s28;
	s29 =	sadd.s32 $0x10, s25  }
0x100: {  	[hbm4b:s29+s3] =	stream.linear.scatter [tilespmem:s26], [sflag:$0x3], $0x80, $0x38;
	[tilespmem:$0x9D00] =	vst v63  }
0x101: {  	s26 =	sadd.s32 $0x5A10, s28;
	s29 =	sadd.s32 $0x20, s25  }
0x102: {  	[hbm4b:s29+s3] =	stream.linear.scatter [tilespmem:s26], [sflag:$0x3], $0x80, $0x38;
	[tilespmem:$0x9D00] =	vst v63  }
0x103: {  	s26 =	sadd.s32 $0x5A98, s28;
	s29 =	sadd.s32 $0x30, s25  }
0x104: {  	[hbm4b:s29+s3] =	stream.linear.scatter [tilespmem:s26], [sflag:$0x3], $0x80, $0x38;
	[tilespmem:$0x9D00] =	vst v63  }
0x105: {  	s26 =	sadd.s32 $0x5B20, s28;
	s29 =	sadd.s32 $0x40, s25  }
0x106: {  	[hbm4b:s29+s3] =	stream.linear.scatter [tilespmem:s26], [sflag:$0x3], $0x80, $0x38;
	[tilespmem:$0x9D00] =	vst v63  }
.Ltmp3:
0x107: {  	s26 =	sadd.s32 $0x5BA8, s28;
	s29 =	sadd.s32 $0x50, s25;
	(pc) =	sbr.rel @p1 .LBB2_5-.Ltmp3, $4  }
0x108: {  	[hbm4b:s29+s3] =	stream.linear.scatter [tilespmem:s26], [sflag:$0x3], $0x80, $0x38;
	[tilespmem:$0x9D00] =	vst v63  }
0x109: {  	s26 =	sadd.s32 $0x5C30, s28;
	s29 =	sadd.s32 $0x60, s25;
	s28 =	sadd.s32 $0x5CB8, s28  }
0x10a: {  	[hbm4b:s29+s3] =	stream.linear.scatter [tilespmem:s26], [sflag:$0x3], $0x80, $0x38;
	[tilespmem:$0x9D00] =	vst v63  }
0x10b: {  	s29 =	sadd.s32 $0x70, s25;
	s25 =	sadd.s32 $0x1000, s25;
	s26 =	smov.u32 s30  }
0x10c: {  	[hbm4b:s29+s3] =	stream.linear.scatter [tilespmem:s28], [sflag:$0x3], $0x80, $0x38;
	[tilespmem:$0x9D00] =	vst v63  }
0x10d: {  	s26 =	sadd.s32 $0x5900, s24  }
0x10e: {  	[hbm4b:s25+s3] =	stream.linear.scatter [tilespmem:s26], [sflag:$0x3], $0x80, $0x38;
	[tilespmem:$0x9D00] =	vst v63  }
0x10f: {  	s30 =	sadd.s32 $0x5988, s24;
	s31 =	sadd.s32 $0x10, s25  }
0x110: {  	[hbm4b:s31+s3] =	stream.linear.scatter [tilespmem:s30], [sflag:$0x3], $0x80, $0x38;
	[tilespmem:$0x9D00] =	vst v63  }
0x111: {  	s29 =	sadd.s32 $0x5A10, s24;
	s30 =	sadd.s32 $0x20, s25  }
0x112: {  	[hbm4b:s30+s3] =	stream.linear.scatter [tilespmem:s29], [sflag:$0x3], $0x80, $0x38;
	[tilespmem:$0x9D00] =	vst v63  }
0x113: {  	s31 =	sadd.s32 $0x5A98, s24;
	s29 =	sadd.s32 $0x30, s25  }
0x114: {  	[hbm4b:s29+s3] =	stream.linear.scatter [tilespmem:s31], [sflag:$0x3], $0x80, $0x38;
	[tilespmem:$0x9D00] =	vst v63  }
0x115: {  	s30 =	sadd.s32 $0x5B20, s24;
	s31 =	sadd.s32 $0x40, s25  }
0x116: {  	[hbm4b:s31+s3] =	stream.linear.scatter [tilespmem:s30], [sflag:$0x3], $0x80, $0x38;
	[tilespmem:$0x9D00] =	vst v63  }
0x117: {  	p1 =	sne.s32 s21, $0x18;
	s29 =	sadd.s32 $0x5BA8, s24;
	s30 =	sadd.s32 $0x50, s25  }
0x118: {  	[hbm4b:s30+s3] =	stream.linear.scatter [tilespmem:s29], [sflag:$0x3], $0x80, $0x38;
	[tilespmem:$0x9D00] =	vst v63  }
.Ltmp4:
0x119: {  	_ = 	snop;
	(pc) =	sbr.rel @p1 .LBB2_8-.Ltmp4, $4  }
0x11a: {  	s31 =	sadd.s32 $0x5C30, s24;
	s29 =	sadd.s32 $0x60, s25  }
0x11b: {  	[hbm4b:s29+s3] =	stream.linear.scatter [tilespmem:s31], [sflag:$0x3], $0x80, $0x38;
	[tilespmem:$0x9D00] =	vst v63  }
0x11c: {  	s30 =	sadd.s32 $0x5CB8, s24;
	s31 =	sadd.s32 $0x70, s25  }
0x11d: {  	[hbm4b:s31+s3] =	stream.linear.scatter [tilespmem:s30], [sflag:$0x3], $0x80, $0x38;
	[tilespmem:$0x9D00] =	vst v63  }
.Ltmp5:
0x11e: {  	(pc) =	sbr.rel .LBB2_9-.Ltmp5, $4  }
0x11f: {  	_ = 	snop  }
0x120: {  	_ =	swait.ge [sflag:s16], $0x2000  }
0x121: {  	[sflag:s16] =	ssyncset.done $0x0  }
0x122: {  	[sflag:s16] =	ssyncadd.s32 $0xFFFFE000  }
.LBB2_8:
0x123: {  	s24 =	sshrl.u32 s22, $0x2  }
.Ltmp6:
0x124: {  	s24 =	sadd.s32 $0x100, s24;
	(pc) =	sbr.rel @p0 .LBB2_10-.Ltmp6, $4  }
0x125: {  	[tilespmem:s12], [sflag:$0x1] =	stream.indirect.gather [hbm4b:s4+s9], $0x40, s24, s9, $0xb8;
	[tilespmem:$0x9D00] =	vst v63  }
0x126: {  	_ =	swait.ge [sflag:s16], $0x2000  }
0x127: {  	[sflag:s16] =	ssyncset.done $0x0  }
0x128: {  	[sflag:s16] =	ssyncadd.s32 $0xFFFFE000  }
.LBB2_9:
0x129: {  	_ =	swait.ge [sflag:s17], $0x2000  }
0x12a: {  	[sflag:s17] =	ssyncset.done $0x0  }
0x12b: {  	[sflag:s17] =	ssyncadd.s32 $0xFFFFE000  }
.LBB2_10:
0x12c: {  	s24 =	simm.s32 $0x39F0  }
0x12d: {  	v21 =	vld [tilespmem:s24+$0xFFFFFFD0]  }
0x12e: {  	v31 =	vld [tilespmem:s24+$0xFFFFFFE0]  }
0x12f: {  	v16 =	vld [tilespmem:s24+$0xFFFFFF20]  }
0x130: {  	v22 =	vld [tilespmem:s24+$0xFFFFFFF0]  }
0x131: {  	v14 =	vld [tilespmem:s24+$0xFFFFFF50]  }
0x132: {  	v30 =	vld [tilespmem:s24+$0x0]  }
0x133: {  	v12 =	vld [tilespmem:s24+$0xFFFFFF60];
	v9 =	vmul.f32 v21, v21;
	v11 =	vmul.f32 v31, v31  }
0x134: {  	v10 =	vld [tilespmem:s24+$0xFFFFFF90]  }
0x135: {  	v8 =	vld [tilespmem:s24+$0xFFFFFFA0];
	v9 =	vadd.f32 v11, v9;
	v11 =	vmul.f32 v22, v22  }
0x136: {  	v18 =	vld [tilespmem:s24+$0xFFFFFF10]  }
0x137: {  	v17 =	vld [tilespmem:s24+$0xFFFFFF30];
	v15 =	vmul.f32 v30, v30;
	v11 =	vadd.f32 v11, v9  }
0x138: {  	v13 =	vld [tilespmem:s24+$0xFFFFFF70]  }
0x139: {  	v19 =	vld [tilespmem:s24+$0xFFFFFF40];
	v20 =	vmul.f32 v16, v16;
	v23 =	vadd.f32 v15, v11  }
0x13a: {  	v24 =	vmul.f32 v14, v14;
	v25 =	vmul.f32 v12, v12;
	v9 =	vld [tilespmem:s24+$0xFFFFFFB0]  }
0x13b: {  	v26 =	vmul.f32 v18, v18;
	v15 =	vld [tilespmem:s24+$0xFFFFFF80];
	v27 =	vperm.xlane v23, v0  }
0x13c: {  	v28 =	vmul.f32 v10, v10;
	v29 =	vmul.f32 v8, v8;
	v11 =	vld [tilespmem:s24+$0xFFFFFFC0]  }
0x13d: {  	v32 =	vmul.f32 v17, v17;
	v20 =	vadd.f32 v20, v26;
	v23 =	vadd.f32 v23, v27  }
0x13e: {  	v24 =	vadd.f32 v25, v24;
	v25 =	vadd.f32 v29, v28;
	v26 =	vmul.f32 v13, v13  }
0x13f: {  	v20 =	vadd.f32 v32, v20;
	v27 =	vmul.f32 v9, v9;
	v28 =	vperm.xlane v23, v2  }
0x140: {  	v24 =	vadd.f32 v26, v24;
	v26 =	vmul.f32 v19, v19;
	v29 =	vmul.f32 v15, v15  }
0x141: {  	v25 =	vadd.f32 v27, v25;
	v27 =	vmul.f32 v11, v11;
	v23 =	vadd.f32 v23, v28  }
0x142: {  	v20 =	vadd.f32 v26, v20;
	v24 =	vadd.f32 v29, v24  }
0x143: {  	v25 =	vadd.f32 v27, v25;
	v26 =	vperm.xlane v23, v3  }
0x144: {  	v27 =	vperm.xlane v20, v0;
	v28 =	vperm.xlane v24, v0  }
0x145: {  	v29 =	vperm.xlane v25, v0;
	v23 =	vadd.f32 v23, v26  }
0x146: {  	v20 =	vadd.f32 v20, v27;
	v24 =	vadd.f32 v24, v28  }
0x147: {  	v25 =	vadd.f32 v25, v29;
	v26 =	vperm.xlane v23, v4  }
0x148: {  	v27 =	vperm.xlane v20, v2;
	v28 =	vperm.xlane v24, v2  }
0x149: {  	v29 =	vperm.xlane v25, v2;
	v50 =	vadd.f32 v23, v26  }
0x14a: {  	v20 =	vadd.f32 v20, v27;
	v23 =	vadd.f32 v24, v28  }
0x14b: {  	v24 =	vadd.f32 v25, v29;
	v25 =	vshrl.u32 v50, $0x1;
	v26 =	vmul.f32 $5.000000000e-01, v50  }
0x14c: {  	v27 =	vperm.xlane v20, v3;
	v28 =	vperm.xlane v23, v3;
	v25 =	vsub.s32 $0x5F3759DF, v25  }
0x14d: {  	v29 =	vperm.xlane v24, v3;
	v33 =	vmul.f32 v25, v26  }
0x14e: {  	v20 =	vadd.f32 v20, v27;
	v23 =	vadd.f32 v23, v28  }
0x14f: {  	v24 =	vadd.f32 v24, v29;
	v27 =	vmul.f32 v25, v33  }
0x150: {  	v28 =	vperm.xlane v20, v4;
	v29 =	vperm.xlane v23, v4  }
0x151: {  	v51 =	vperm.xlane v24, v4;
	v27 =	vsub.f32 $1.500000000e+00, v27  }
0x152: {  	s28 =	simm.s32 $0x0;
	v20 =	vadd.f32 v20, v28;
	v23 =	vadd.f32 v23, v29  }
0x153: {  	v28 =	vmov s28;
	v34 =	vadd.f32 v24, v51;
	v24 =	vmul.f32 v25, v27  }
0x154: {  	v29 =	vmul.f32 $5.000000000e-01, v20;
	v25 =	vshrl.u32 v20, $0x1;
	v27 =	vshrl.u32 v23, $0x1  }
0x155: {  	v38 =	vmul.f32 $5.000000000e-01, v23;
	v33 =	vshrl.u32 v34, $0x1;
	v35 =	vmul.f32 v24, v26  }
0x156: {  	v39 =	vmul.f32 $5.000000000e-01, v34;
	v25 =	vsub.s32 $0x5F3759DF, v25;
	v36 =	vsub.s32 $0x5F3759DF, v27  }
0x157: {  	v33 =	vsub.s32 $0x5F3759DF, v33;
	v27 =	vmul.f32 v25, v29;
	v35 =	vmul.f32 v35, v24  }
0x158: {  	v37 =	vand.u32 $0x7C, v28;
	v28 =	vmul.f32 v36, v38;
	v40 =	vmul.f32 v33, v39  }
0x159: {  	vm0 =	vgt.f32 v20, $9.999799720e-01;
	v20 =	vmul.f32 v25, v27;
	v27 =	vsub.f32 $1.500000000e+00, v35  }
0x15a: {  	s29 =	simm.s32 $0x1;
	vm1 =	vgt.f32 v23, $9.999799720e-01;
	v23 =	vmul.f32 v36, v28;
	v52 =	vmul.f32 v33, v40  }
0x15b: {  	s30 =	simm.s32 $0x3;
	v53 =	vmov s29;
	v20 =	vsub.f32 $1.500000000e+00, v20;
	v41 =	vmul.f32 v27, v24  }
0x15c: {  	v56 =	vmov s30;
	v23 =	vsub.f32 $1.500000000e+00, v23;
	v35 =	vsub.f32 $1.500000000e+00, v52  }
0x15d: {  	v44 =	vand.u32 $0x7F, v56;
	v20 =	vmul.f32 v25, v20;
	v26 =	vmul.f32 v41, v26  }
0x15e: {  	v28 =	vadd.s32 v1, v37;
	v36 =	vmul.f32 v36, v23;
	v35 =	vmul.f32 v33, v35  }
0x15f: {  	v27 =	vadd.s32 v5, v37;
	v23 =	vmul.f32 v20, v29;
	v54 =	vmul.f32 v26, v41  }
0x160: {  	v24 =	vadd.s32 v6, v37;
	v25 =	vadd.s32 v7, v37;
	v42 =	vmul.f32 v36, v38  }
0x161: {  	v55 =	vmul.f32 v35, v39;
	v43 =	vmul.f32 v23, v20;
	v37 =	vsub.f32 $1.500000000e+00, v54  }
0x162: {  	v57 =	vadd.s32 v1, v44;
	v58 =	vadd.s32 v5, v44;
	v42 =	vmul.f32 v42, v36  }
0x163: {  	v40 =	vmul.f32 v55, v35;
	v43 =	vsub.f32 $1.500000000e+00, v43;
	v41 =	vmul.f32 v37, v41  }
0x164: {  	v60 =	vadd.s32 v6, v44;
	v33 =	vand.u32 $0x7D, v53;
	v42 =	vsub.f32 $1.500000000e+00, v42  }
0x165: {  	v40 =	vsub.f32 $1.500000000e+00, v40;
	v37 =	vmul.f32 v43, v20;
	v20 =	vmul.f32 $9.999899860e-01, v41  }
0x166: {  	v44 =	vadd.s32 v7, v44;
	vm2 =	vgt.f32 v50, $9.999799720e-01;
	v26 =	vadd.s32 v1, v33  }
0x167: {  	s25 =	simm.s32 $0x3AF0;
	v36 =	vmul.f32 v42, v36;
	v35 =	vmul.f32 v40, v35;
	v59 =	vnsel vm2, $0x3F800000, v20  }
0x168: {  	v23 =	vadd.s32 v5, v33;
	v61 =	vmul.f32 v37, v29;
	v20 =	vld [tilespmem:s25+$0xFFFFFFD0];
	v45 =	vmul.f32 v59, v21  }
0x169: {  	s31 =	simm.s32 $0x2;
	v38 =	vmul.f32 v36, v38;
	v29 =	vadd.s32 v6, v33;
	v21 =	vld [tilespmem:s25+$0xFFFFFFE0];
	v47 =	vmul.f32 v59, v31  }
0x16a: {  	v63 =	vmov s31;
	v62 =	vmul.f32 v35, v39;
	v31 =	vld [tilespmem:s25+$0xFFFFFF20];
	v48 =	vmul.f32 v59, v22;
	[tilespmem:v57+s18+$0x0] =	vst.idx.msk $0xffff, v45  }
0x16b: {  	v39 =	vand.u32 $0x7E, v63;
	v40 =	vmul.f32 v61, v37;
	v22 =	vld [tilespmem:s25+$0xFFFFFFF0];
	v46 =	vmul.f32 v59, v30;
	[tilespmem:v58+s18+$0x0] =	vst.idx.msk $0xffff, v47  }
0x16c: {  	s26 =	simm.s32 $0x8;
	s24 =	simm.s32 $0x4;
	vm2 =	vgt.f32 v34, $9.999799720e-01;
	v42 =	vmul.f32 v38, v36;
	v38 =	vmul.f32 v62, v35;
	v30 =	vld [tilespmem:s25+$0xFFFFFF50];
	[tilespmem:v60+s18+$0x0] =	vst.idx.msk $0xffff, v48  }
.LBB2_11:
0x16d: {  	p0 =	slt.u32 s26, $0x7C;
	v32 =	vld [tilespmem:s25+$0x0];
	v40 =	vsub.f32 $1.500000000e+00, v40;
	v34 =	vadd.s32 v7, v33;
	v33 =	vadd.s32 v1, v39;
	[tilespmem:v44+s18+$0x0] =	vst.idx.msk $0xffff, v46  }
0x16e: {  	v43 =	vmul.f32 v20, v20;
	v41 =	vld [tilespmem:s25+$0xFFFFFF60];
	v44 =	vmul.f32 v21, v21;
	v42 =	vsub.f32 $1.500000000e+00, v42  }
0x16f: {  	v38 =	vsub.f32 $1.500000000e+00, v38;
	v45 =	vmul.f32 v31, v31;
	v46 =	vld [tilespmem:s25+$0xFFFFFF90];
	v37 =	vmul.f32 v40, v37  }
0x170: {  	v40 =	vld [tilespmem:s25+$0xFFFFFFA0];
	v43 =	vadd.f32 v44, v43;
	v44 =	vmul.f32 v22, v22;
	v36 =	vmul.f32 v42, v36  }
0x171: {  	v38 =	vmul.f32 v38, v35;
	v35 =	vadd.s32 v5, v39;
	v42 =	vld [tilespmem:s25+$0xFFFFFF10];
	v47 =	vmul.f32 v30, v30  }
0x172: {  	v37 =	vmul.f32 $9.999899860e-01, v37;
	v48 =	vld [tilespmem:s25+$0xFFFFFF30];
	v43 =	vadd.f32 v44, v43;
	v44 =	vmul.f32 v32, v32  }
0x173: {  	v51 =	vmul.f32 $9.999899860e-01, v36;
	v36 =	vadd.s32 v6, v39;
	v49 =	vld [tilespmem:s25+$0xFFFFFF70];
	v50 =	vmul.f32 v41, v41  }
0x174: {  	v38 =	vmul.f32 $9.999899860e-01, v38;
	v52 =	vld [tilespmem:s25+$0xFFFFFFB0];
	v53 =	vmul.f32 v46, v46;
	v43 =	vadd.f32 v44, v43  }
0x175: {  	v37 =	vnsel vm0, $0x3F800000, v37;
	v44 =	vld [tilespmem:s25+$0xFFFFFF40];
	v47 =	vadd.f32 v50, v47;
	v50 =	vmul.f32 v40, v40  }
0x176: {  	v51 =	vnsel vm1, $0x3F800000, v51;
	v54 =	vmul.f32 v42, v42;
	v55 =	vld [tilespmem:s25+$0xFFFFFF80];
	v56 =	vperm.xlane v43, v0  }
0x177: {  	v38 =	vnsel vm2, $0x3F800000, v38;
	v57 =	vmul.f32 v48, v48;
	v58 =	vld [tilespmem:s25+$0xFFFFFFC0];
	v50 =	vadd.f32 v50, v53  }
0x178: {  	v45 =	vadd.f32 v45, v54;
	v53 =	vmul.f32 v49, v49;
	v43 =	vadd.f32 v43, v56  }
0x179: {  	v39 =	vadd.s32 v7, v39;
	v56 =	vmul.f32 v37, v18;
	v18 =	vmovc v42;
	v54 =	vmul.f32 v52, v52  }
0x17a: {  	v42 =	vadd.f32 v57, v45;
	v45 =	vadd.f32 v53, v47;
	v47 =	vperm.xlane v43, v2  }
0x17b: {  	v53 =	vmul.f32 v44, v44;
	v57 =	vmul.f32 v55, v55;
	v50 =	vadd.f32 v54, v50  }
0x17c: {  	v54 =	vmul.f32 v58, v58;
	v43 =	vadd.f32 v43, v47;
	v47 =	vmul.f32 v37, v16;
	v16 =	vmovc v31  }
0x17d: {  	v31 =	vadd.f32 v53, v42;
	v42 =	vadd.f32 v57, v45;
	v45 =	vmul.f32 v37, v17;
	v17 =	vmovc v48  }
0x17e: {  	v37 =	vmul.f32 v37, v19;
	v19 =	vmovc v44;
	v48 =	vadd.f32 v54, v50;
	v50 =	vperm.xlane v43, v3  }
0x17f: {  	v44 =	vperm.xlane v31, v0;
	v53 =	vperm.xlane v42, v0;
	[tilespmem:v28+s18+$0x0] =	vst.idx.msk $0xffff, v56  }
0x180: {  	v28 =	vperm.xlane v48, v0;
	v43 =	vadd.f32 v43, v50;
	v50 =	vmul.f32 v51, v14;
	v14 =	vmovc v30  }
0x181: {  	v31 =	vadd.f32 v31, v44;
	v44 =	vmul.f32 v51, v12;
	v12 =	vmovc v41;
	v42 =	vadd.f32 v42, v53  }
0x182: {  	v41 =	vmul.f32 v51, v13;
	v13 =	vmovc v49;
	v28 =	vadd.f32 v48, v28;
	v30 =	vperm.xlane v43, v4  }
0x183: {  	v48 =	vperm.xlane v31, v2;
	v49 =	vperm.xlane v42, v2;
	[tilespmem:v27+s18+$0x0] =	vst.idx.msk $0xffff, v47  }
0x184: {  	v27 =	vperm.xlane v28, v2;
	v30 =	vadd.f32 v43, v30;
	v43 =	vmul.f32 v51, v15;
	v15 =	vmovc v55  }
0x185: {  	v47 =	vmul.f32 v38, v10;
	v10 =	vmovc v46;
	v31 =	vadd.f32 v31, v48;
	v42 =	vadd.f32 v42, v49  }
0x186: {  	v27 =	vadd.f32 v28, v27;
	v28 =	vshrl.u32 v30, $0x1;
	v46 =	vmul.f32 $5.000000000e-01, v30;
	[tilespmem:v24+s18+$0x0] =	vst.idx.msk $0xffff, v45  }
0x187: {  	v24 =	vperm.xlane v31, v3;
	v45 =	vperm.xlane v42, v3;
	v28 =	vsub.s32 $0x5F3759DF, v28;
	[tilespmem:v25+s18+$0x0] =	vst.idx.msk $0xffff, v37  }
0x188: {  	v25 =	vperm.xlane v27, v3;
	v37 =	vmul.f32 v28, v46;
	[tilespmem:v26+s18+$0x0] =	vst.idx.msk $0xffff, v50  }
0x189: {  	v24 =	vadd.f32 v31, v24;
	v31 =	vmul.f32 v38, v8;
	v8 =	vmovc v40;
	v26 =	vadd.f32 v42, v45  }
0x18a: {  	v25 =	vadd.f32 v27, v25;
	v27 =	vmul.f32 v28, v37;
	v37 =	vmul.f32 v38, v9;
	v9 =	vmovc v52  }
0x18b: {  	v40 =	vperm.xlane v24, v4;
	v42 =	vperm.xlane v26, v4;
	[tilespmem:v23+s18+$0x0] =	vst.idx.msk $0xffff, v44  }
0x18c: {  	v23 =	vperm.xlane v25, v4;
	v27 =	vsub.f32 $1.500000000e+00, v27;
	[tilespmem:v29+s18+$0x0] =	vst.idx.msk $0xffff, v41;
	v29 =	vmul.f32 v38, v11  }
0x18d: {  	v24 =	vadd.f32 v24, v40;
	v38 =	vmov s24;
	v11 =	vmovc v58;
	v26 =	vadd.f32 v26, v42;
	[tilespmem:v34+s18+$0x0] =	vst.idx.msk $0xffff, v43  }
0x18e: {  	v34 =	vand.u32 $0x7C, v38;
	v23 =	vadd.f32 v25, v23;
	v25 =	vmul.f32 v28, v27;
	[tilespmem:v33+s18+$0x0] =	vst.idx.msk $0xffff, v47  }
0x18f: {  	v27 =	vshrl.u32 v24, $0x1;
	v38 =	vmul.f32 $5.000000000e-01, v24;
	v28 =	vshrl.u32 v26, $0x1;
	[tilespmem:v35+s18+$0x0] =	vst.idx.msk $0xffff, v31  }
0x190: {  	v31 =	vmul.f32 $5.000000000e-01, v26;
	v33 =	vshrl.u32 v23, $0x1;
	v35 =	vmul.f32 v25, v46;
	[tilespmem:v36+s18+$0x0] =	vst.idx.msk $0xffff, v37  }
0x191: {  	v27 =	vsub.s32 $0x5F3759DF, v27;
	v36 =	vsub.s32 $0x5F3759DF, v28;
	v40 =	vmul.f32 $5.000000000e-01, v23;
	[tilespmem:v39+s18+$0x0] =	vst.idx.msk $0xffff, v29  }
0x192: {  	v28 =	vmul.f32 v27, v38;
	v29 =	vsub.s32 $0x5F3759DF, v33;
	v33 =	vmul.f32 v35, v25  }
0x193: {  	vm0 =	vgt.f32 v24, $9.999799720e-01;
	v24 =	vmul.f32 v36, v31;
	v35 =	vmul.f32 v29, v40  }
0x194: {  	vm1 =	vgt.f32 v26, $9.999799720e-01;
	v28 =	vmul.f32 v27, v28;
	v26 =	vsub.f32 $1.500000000e+00, v33  }
0x195: {  	s28 =	sadd.s32 $0x1, s24;
	vm2 =	vgt.f32 v23, $9.999799720e-01;
	v24 =	vmul.f32 v36, v24;
	v33 =	vmul.f32 v29, v35  }
0x196: {  	v23 =	vsub.f32 $1.500000000e+00, v28;
	v35 =	vmov s28;
	v37 =	vmul.f32 v26, v25  }
0x197: {  	v28 =	vadd.s32 v1, v34;
	v25 =	vsub.f32 $1.500000000e+00, v24;
	v26 =	vsub.f32 $1.500000000e+00, v33  }
0x198: {  	v39 =	vmul.f32 v27, v23;
	v27 =	vadd.s32 v5, v34;
	v23 =	vmul.f32 v37, v46  }
0x199: {  	v24 =	vadd.s32 v6, v34;
	v36 =	vmul.f32 v36, v25;
	v29 =	vmul.f32 v29, v26  }
0x19a: {  	v26 =	vmul.f32 v39, v38;
	v25 =	vadd.s32 v7, v34;
	v23 =	vmul.f32 v23, v37  }
0x19b: {  	v33 =	vand.u32 $0x7D, v35;
	v34 =	vmul.f32 v36, v31;
	v35 =	vmul.f32 v29, v40  }
0x19c: {  	v41 =	vmul.f32 v26, v39;
	v26 =	vadd.s32 v1, v33;
	v42 =	vsub.f32 $1.500000000e+00, v23  }
0x19d: {  	s28 =	sadd.s32 $0x3, s24;
	v34 =	vmul.f32 v34, v36;
	v23 =	vadd.s32 v5, v33;
	v35 =	vmul.f32 v35, v29  }
0x19e: {  	v41 =	vsub.f32 $1.500000000e+00, v41;
	v42 =	vmul.f32 v42, v37;
	v37 =	vmov s28  }
0x19f: {  	v34 =	vsub.f32 $1.500000000e+00, v34;
	v35 =	vsub.f32 $1.500000000e+00, v35;
	v43 =	vand.u32 $0x7F, v37  }
0x1a0: {  	v37 =	vmul.f32 v41, v39;
	v39 =	vmul.f32 $9.999899860e-01, v42;
	v41 =	vadd.s32 v1, v43  }
0x1a1: {  	vm3 =	vgt.f32 v30, $9.999799720e-01;
	v36 =	vmul.f32 v34, v36;
	v30 =	vadd.s32 v5, v43  }
0x1a2: {  	s25 =	sadd.s32 $0x100, s25;
	v35 =	vmul.f32 v35, v29;
	v45 =	vadd.s32 v6, v43;
	v34 =	vnsel vm3, $0x3F800000, v39  }
.Ltmp7:
0x1a3: {  	v44 =	vadd.s32 v7, v43;
	v38 =	vmul.f32 v37, v38;
	v39 =	vmul.f32 v34, v20;
	v20 =	vld [tilespmem:s25+$0xFFFFFFD0];
	(pc) =	sbr.rel @p0 .LBB2_11-.Ltmp7, $4  }
0x1a4: {  	v29 =	vadd.s32 v6, v33;
	v42 =	vmul.f32 v36, v31;
	v43 =	vmul.f32 v34, v21;
	v21 =	vld [tilespmem:s25+$0xFFFFFFE0]  }
0x1a5: {  	s28 =	sadd.s32 $0x2, s24;
	s24 =	smov.u32 s26;
	v47 =	vmul.f32 v35, v40;
	v48 =	vmul.f32 v34, v22;
	v31 =	vld [tilespmem:s25+$0xFFFFFF20];
	[tilespmem:v41+s18+$0x0] =	vst.idx.msk $0xffff, v39  }
0x1a6: {  	v40 =	vmul.f32 v38, v37;
	v46 =	vmul.f32 v34, v32;
	v39 =	vmov s28;
	v22 =	vld [tilespmem:s25+$0xFFFFFFF0];
	[tilespmem:v30+s18+$0x0] =	vst.idx.msk $0xffff, v43  }
0x1a7: {  	s26 =	sadd.s32 $0x4, s26;
	v42 =	vmul.f32 v42, v36;
	v38 =	vmul.f32 v47, v35;
	v39 =	vand.u32 $0x7E, v39;
	v30 =	vld [tilespmem:s25+$0xFFFFFF50];
	[tilespmem:v45+s18+$0x0] =	vst.idx.msk $0xffff, v48  }
0x1a8: {  	v32 =	vld [tilespmem:s25+$0xFFFFFF90];
	_ =	sdelay $0x1  }
0x1a9: {  	v43 =	vld [tilespmem:s25+$0x0]  }
0x1aa: {  	v34 =	vld [tilespmem:s25+$0xFFFFFF60];
	v45 =	vmul.f32 v20, v20;
	v33 =	vadd.s32 v7, v33;
	v47 =	vmul.f32 v21, v21  }
0x1ab: {  	v41 =	vld [tilespmem:s25+$0xFFFFFF10];
	[tilespmem:$0x1FFC0] =	vst v33  }
0x1ac: {  	v49 =	vsub.f32 $1.500000000e+00, v40;
	v47 =	vadd.f32 v47, v45;
	v48 =	vmul.f32 v22, v22;
	[tilespmem:$0x1FFD0] =	vst v32  }
0x1ad: {  	v42 =	vsub.f32 $1.500000000e+00, v42;
	v62 =	vsub.f32 $1.500000000e+00, v38;
	v50 =	vmul.f32 v31, v31;
	v40 =	vld [tilespmem:s25+$0xFFFFFF30]  }
0x1ae: {  	v49 =	vmul.f32 v49, v37;
	v47 =	vadd.f32 v48, v47;
	v61 =	vmul.f32 v43, v43;
	v45 =	vld [tilespmem:s25+$0xFFFFFFA0]  }
0x1af: {  	v51 =	vmul.f32 v42, v36;
	v54 =	vmul.f32 v62, v35;
	v42 =	vld [tilespmem:s25+$0xFFFFFF40]  }
0x1b0: {  	v52 =	vmul.f32 v30, v30;
	v49 =	vmul.f32 $9.999899860e-01, v49;
	v36 =	vld [tilespmem:s25+$0xFFFFFF70];
	v53 =	vadd.f32 v61, v47  }
0x1b1: {  	v63 =	vmul.f32 v41, v41;
	v55 =	vmul.f32 v34, v34;
	v35 =	vld [tilespmem:s25+$0xFFFFFFB0]  }
0x1b2: {  	v58 =	vmul.f32 v32, v32;
	v38 =	vld [tilespmem:s25+$0xFFFFFF80];
	v56 =	vperm.xlane v53, v0  }
0x1b3: {  	v51 =	vmul.f32 $9.999899860e-01, v51;
	v37 =	vld [tilespmem:s25+$0xFFFFFFC0];
	v50 =	vadd.f32 v50, v63;
	v57 =	vmul.f32 v40, v40  }
0x1b4: {  	v52 =	vadd.f32 v55, v52;
	v59 =	vmul.f32 v45, v45;
	v53 =	vadd.f32 v53, v56  }
0x1b5: {  	v33 =	vmul.f32 v42, v42;
	v60 =	vmul.f32 v36, v36;
	v50 =	vadd.f32 v57, v50  }
0x1b6: {  	v63 =	vmul.f32 v35, v35;
	v61 =	vadd.f32 v59, v58;
	v62 =	vperm.xlane v53, v2  }
0x1b7: {  	v32 =	vmul.f32 v38, v38;
	v52 =	vadd.f32 v60, v52;
	v50 =	vadd.f32 v33, v50  }
0x1b8: {  	v60 =	vmul.f32 v37, v37;
	v53 =	vadd.f32 v53, v62;
	v56 =	vadd.f32 v63, v61  }
0x1b9: {  	v54 =	vmul.f32 $9.999899860e-01, v54;
	v52 =	vadd.f32 v32, v52;
	v33 =	vperm.xlane v50, v0  }
0x1ba: {  	v49 =	vnsel vm0, $0x3F800000, v49;
	v61 =	vperm.xlane v53, v3;
	v56 =	vadd.f32 v60, v56  }
0x1bb: {  	v51 =	vnsel vm1, $0x3F800000, v51;
	v62 =	vperm.xlane v52, v0;
	v50 =	vadd.f32 v50, v33  }
0x1bc: {  	v18 =	vmul.f32 v49, v18;
	v53 =	vadd.f32 v53, v61;
	v32 =	vperm.xlane v56, v0  }
0x1bd: {  	v16 =	vmul.f32 v49, v16;
	v52 =	vadd.f32 v52, v62;
	v63 =	vperm.xlane v50, v2  }
0x1be: {  	v17 =	vmul.f32 v49, v17;
	v33 =	vperm.xlane v53, v4;
	v60 =	vadd.f32 v56, v32  }
0x1bf: {  	v19 =	vmul.f32 v49, v19;
	v61 =	vperm.xlane v52, v2;
	v50 =	vadd.f32 v50, v63  }
0x1c0: {  	v15 =	vmul.f32 v51, v15;
	v49 =	vadd.f32 v53, v33;
	v63 =	vperm.xlane v60, v2  }
0x1c1: {  	v33 =	vmul.f32 v51, v14;
	v52 =	vadd.f32 v52, v61;
	v62 =	vperm.xlane v50, v3  }
0x1c2: {  	v14 =	vshrl.u32 v49, $0x1;
	v58 =	vmul.f32 $5.000000000e-01, v49;
	v53 =	vadd.f32 v60, v63  }
0x1c3: {  	v32 =	vperm.xlane v52, v3;
	v56 =	vsub.s32 $0x5F3759DF, v14;
	v50 =	vadd.f32 v50, v62  }
0x1c4: {  	v59 =	vmul.f32 v56, v58;
	v61 =	vperm.xlane v53, v3  }
0x1c5: {  	v14 =	vmul.f32 v51, v12;
	v52 =	vadd.f32 v52, v32;
	v60 =	vperm.xlane v50, v4  }
0x1c6: {  	v32 =	vmul.f32 v51, v13;
	v63 =	vmul.f32 v56, v59;
	v51 =	vadd.f32 v53, v61  }
0x1c7: {  	v12 =	vperm.xlane v52, v4;
	v50 =	vadd.f32 v50, v60  }
0x1c8: {  	v54 =	vnsel vm2, $0x3F800000, v54;
	v55 =	vsub.f32 $1.500000000e+00, v63;
	v61 =	vperm.xlane v51, v4  }
0x1c9: {  	v52 =	vadd.f32 v52, v12;
	v13 =	vshrl.u32 v50, $0x1;
	v60 =	vmul.f32 $5.000000000e-01, v50  }
0x1ca: {  	v12 =	vmul.f32 v54, v8;
	v55 =	vmul.f32 v56, v55;
	v53 =	vsub.s32 $0x5F3759DF, v13  }
0x1cb: {  	v48 =	vadd.s32 v5, v39;
	v59 =	vmul.f32 $5.000000000e-01, v52;
	v56 =	vmul.f32 v53, v60  }
0x1cc: {  	v13 =	vmul.f32 v54, v10;
	v10 =	vshrl.u32 v52, $0x1;
	v62 =	vmul.f32 v55, v58  }
0x1cd: {  	v51 =	vadd.f32 v51, v61;
	v61 =	vsub.s32 $0x5F3759DF, v10;
	v56 =	vmul.f32 v53, v56  }
0x1ce: {  	v47 =	vadd.s32 v1, v39;
	v8 =	vmul.f32 v61, v59;
	v62 =	vmul.f32 v62, v55  }
0x1cf: {  	v11 =	vmul.f32 v54, v11;
	[tilespmem:v28+s18+$0x0] =	vst.idx.msk $0xffff, v18;
	v18 =	vadd.s32 v7, v39;
	v56 =	vsub.f32 $1.500000000e+00, v56  }
0x1d0: {  	v10 =	vmul.f32 v54, v9;
	v8 =	vmul.f32 v61, v8;
	v62 =	vsub.f32 $1.500000000e+00, v62  }
0x1d1: {  	v63 =	vshrl.u32 v51, $0x1;
	v9 =	vmul.f32 $5.000000000e-01, v51;
	v53 =	vmul.f32 v53, v56  }
0x1d2: {  	[tilespmem:v44+s18+$0x0] =	vst.idx.msk $0xffff, v46;
	v63 =	vsub.s32 $0x5F3759DF, v63;
	v8 =	vsub.f32 $1.500000000e+00, v8;
	v44 =	vmul.f32 v62, v55  }
0x1d3: {  	[tilespmem:v27+s18+$0x0] =	vst.idx.msk $0xffff, v16;
	v54 =	vmov s24;
	v56 =	vmul.f32 v63, v9;
	v55 =	vmul.f32 v53, v60  }
0x1d4: {  	[tilespmem:v24+s18+$0x0] =	vst.idx.msk $0xffff, v17;
	v28 =	vand.u32 $0x7C, v54;
	v8 =	vmul.f32 v61, v8;
	v54 =	vmul.f32 v44, v58  }
0x1d5: {  	[tilespmem:v25+s18+$0x0] =	vst.idx.msk $0xffff, v19;
	v56 =	vmul.f32 v63, v56;
	v62 =	vmul.f32 v55, v53  }
0x1d6: {  	s29 =	sadd.s32 $0x1, s24;
	v57 =	vadd.s32 v6, v39;
	v55 =	vmul.f32 v8, v59;
	v39 =	vmul.f32 v54, v44  }
0x1d7: {  	[tilespmem:v26+s18+$0x0] =	vst.idx.msk $0xffff, v33;
	v61 =	vmov s29;
	v27 =	vsub.f32 $1.500000000e+00, v62  }
0x1d8: {  	[tilespmem:v23+s18+$0x0] =	vst.idx.msk $0xffff, v14;
	v46 =	vsub.f32 $1.500000000e+00, v56;
	v25 =	vmul.f32 v55, v8;
	v58 =	vsub.f32 $1.500000000e+00, v39  }
0x1d9: {  	[tilespmem:v29+s18+$0x0] =	vst.idx.msk $0xffff, v32;
	v16 =	vand.u32 $0x7D, v61;
	v27 =	vmul.f32 v27, v53  }
0x1da: {  	v24 =	vmul.f32 v63, v46;
	v61 =	vsub.f32 $1.500000000e+00, v25;
	v63 =	vmul.f32 v58, v44;
	v44 =	vld [tilespmem:$0x1FFC0]  }
0x1db: {  	s30 =	sadd.s32 $0x3, s24;
	v17 =	vadd.s32 v1, v28;
	v19 =	vadd.s32 v5, v28;
	v62 =	vmul.f32 v27, v60  }
0x1dc: {  	v14 =	vadd.s32 v1, v16;
	v39 =	vmov s30;
	v8 =	vmul.f32 v61, v8  }
0x1dd: {  	v56 =	vmul.f32 v24, v9;
	v53 =	vand.u32 $0x7F, v39;
	v54 =	vmul.f32 v62, v27  }
0x1de: {  	v46 =	vadd.s32 v6, v28;
	v58 =	vadd.s32 v1, v53;
	v60 =	vmul.f32 v8, v59  }
0x1df: {  	[tilespmem:v47+s18+$0x0] =	vst.idx.msk $0xffff, v13;
	v26 =	vmul.f32 v56, v24;
	v56 =	vmul.f32 $9.999899860e-01, v63;
	v23 =	vsub.f32 $1.500000000e+00, v54  }
0x1e0: {  	vm12 =	vgt.f32 v49, $9.999799720e-01;
	[tilespmem:v48+s18+$0x0] =	vst.idx.msk $0xffff, v12;
	v61 =	vadd.s32 v5, v53;
	v12 =	vmul.f32 v60, v8  }
0x1e1: {  	[tilespmem:v57+s18+$0x0] =	vst.idx.msk $0xffff, v10;
	v63 =	vadd.s32 v6, v53;
	v62 =	vnsel vm12, $0x3F800000, v56;
	v23 =	vmul.f32 v23, v27  }
0x1e2: {  	[tilespmem:v44+s18+$0x0] =	vst.idx.msk $0xffff, v15;
	v27 =	vmul.f32 v62, v20;
	v15 =	vadd.s32 v7, v53;
	v32 =	vsub.f32 $1.500000000e+00, v12  }
0x1e3: {  	[tilespmem:v18+s18+$0x0] =	vst.idx.msk $0xffff, v11;
	v55 =	vsub.f32 $1.500000000e+00, v26;
	v29 =	vmul.f32 v62, v21;
	v33 =	vmul.f32 $9.999899860e-01, v23  }
0x1e4: {  	vm13 =	vgt.f32 v50, $9.999799720e-01;
	v39 =	vmul.f32 v62, v22;
	[tilespmem:v58+s18+$0x0] =	vst.idx.msk $0xffff, v27;
	v8 =	vmul.f32 v32, v8  }
0x1e5: {  	v43 =	vmul.f32 v62, v43;
	v13 =	vmul.f32 v55, v24;
	[tilespmem:v61+s18+$0x0] =	vst.idx.msk $0xffff, v29;
	v44 =	vnsel vm13, $0x3F800000, v33  }
0x1e6: {  	v28 =	vadd.s32 v7, v28;
	[tilespmem:v63+s18+$0x0] =	vst.idx.msk $0xffff, v39;
	v8 =	vmul.f32 $9.999899860e-01, v8;
	v12 =	vmul.f32 v44, v41  }
0x1e7: {  	vm14 =	vgt.f32 v52, $9.999799720e-01;
	v47 =	vadd.s32 v5, v16;
	[tilespmem:v15+s18+$0x0] =	vst.idx.msk $0xffff, v43;
	v48 =	vmul.f32 v44, v31  }
0x1e8: {  	v9 =	vmul.f32 v13, v9;
	v52 =	vmul.f32 v44, v40;
	v8 =	vnsel vm14, $0x3F800000, v8;
	[tilespmem:v17+s18+$0x0] =	vst.idx.msk $0xffff, v12  }
0x1e9: {  	v55 =	vmul.f32 v8, v30;
	[tilespmem:v19+s18+$0x0] =	vst.idx.msk $0xffff, v48  }
0x1ea: {  	v9 =	vmul.f32 v9, v13;
	v10 =	vmul.f32 v44, v42;
	[tilespmem:v46+s18+$0x0] =	vst.idx.msk $0xffff, v52  }
0x1eb: {  	v57 =	vmul.f32 v8, v34;
	[tilespmem:v14+s18+$0x0] =	vst.idx.msk $0xffff, v55  }
0x1ec: {  	v9 =	vsub.f32 $1.500000000e+00, v9;
	[tilespmem:v28+s18+$0x0] =	vst.idx.msk $0xffff, v10  }
0x1ed: {  	s31 =	sadd.s32 $0x2, s24;
	[tilespmem:v47+s18+$0x0] =	vst.idx.msk $0xffff, v57  }
0x1ee: {  	v50 =	vmov s31;
	v49 =	vadd.s32 v6, v16;
	v9 =	vmul.f32 v9, v13;
	v62 =	vld [tilespmem:$0x1FFD0]  }
0x1ef: {  	v54 =	vadd.s32 v7, v16;
	v53 =	vand.u32 $0x7E, v50  }
0x1f0: {  	v56 =	vadd.s32 v1, v53;
	v9 =	vmul.f32 $9.999899860e-01, v9  }
0x1f1: {  	vm15 =	vgt.f32 v51, $9.999799720e-01;
	v58 =	vadd.s32 v5, v53;
	v59 =	vmul.f32 v8, v36  }
0x1f2: {  	v60 =	vadd.s32 v6, v53;
	v8 =	vmul.f32 v8, v38;
	v9 =	vnsel vm15, $0x3F800000, v9  }
0x1f3: {  	v61 =	vadd.s32 v7, v53;
	[tilespmem:v49+s18+$0x0] =	vst.idx.msk $0xffff, v59;
	v12 =	vmul.f32 v9, v62  }
0x1f4: {  	v63 =	vmul.f32 v9, v45;
	[tilespmem:v54+s18+$0x0] =	vst.idx.msk $0xffff, v8  }
0x1f5: {  	v8 =	vmul.f32 v9, v35;
	[tilespmem:v56+s18+$0x0] =	vst.idx.msk $0xffff, v12  }
0x1f6: {  	v9 =	vmul.f32 v9, v37;
	[tilespmem:v58+s18+$0x0] =	vst.idx.msk $0xffff, v63  }
0x1f7: {  	[tilespmem:v60+s18+$0x0] =	vst.idx.msk $0xffff, v8  }
0x1f8: {  	s25 =	simm.s32 $0x7B00;
	s24 =	sadd.s32 s23, s7;
	[tilespmem:v61+s18+$0x0] =	vst.idx.msk $0xffff, v9  }
0x1f9: {  	[hbm4b:s24+s3] =	stream.linear.scatter [tilespmem:s25], [sflag:$0x4], $0x80, $0x38;
	[tilespmem:$0x9D00] =	vst v63  }
0x1fa: {  	s26 =	simm.s32 $0x7B88;
	s29 =	sadd.s32 $0x10, s24  }
0x1fb: {  	[hbm4b:s29+s3] =	stream.linear.scatter [tilespmem:s26], [sflag:$0x4], $0x80, $0x38;
	[tilespmem:$0x9D00] =	vst v63  }
0x1fc: {  	s23 =	simm.s32 $0x440;
	s31 =	sadd.s32 $0x20, s24;
	s30 =	simm.s32 $0x7C10  }
0x1fd: {  	[hbm4b:s31+s3] =	stream.linear.scatter [tilespmem:s30], [sflag:$0x4], $0x80, $0x38;
	[tilespmem:$0x9D00] =	vst v63  }
0x1fe: {  	s28 =	sadd.s32 $0x70, s24;
	s26 =	simm.s32 $0x7C98;
	s29 =	sadd.s32 $0x30, s24  }
0x1ff: {  	[hbm4b:s29+s3] =	stream.linear.scatter [tilespmem:s26], [sflag:$0x4], $0x80, $0x38;
	[tilespmem:$0x9D00] =	vst v63  }
0x200: {  	s25 =	simm.s32 $0x2200;
	s30 =	simm.s32 $0x7D20;
	s31 =	sadd.s32 $0x40, s24  }
0x201: {  	[hbm4b:s31+s3] =	stream.linear.scatter [tilespmem:s30], [sflag:$0x4], $0x80, $0x38;
	[tilespmem:$0x9D00] =	vst v63  }
0x202: {  	s26 =	simm.s32 $0x7DA8;
	s29 =	sadd.s32 $0x50, s24;
	s30 =	simm.s32 $0x7E30  }
0x203: {  	[hbm4b:s29+s3] =	stream.linear.scatter [tilespmem:s26], [sflag:$0x4], $0x80, $0x38;
	[tilespmem:$0x9D00] =	vst v63  }
0x204: {  	s31 =	sadd.s32 $0x60, s24;
	s24 =	sadd.s32 $0x1000, s24;
	s26 =	simm.s32 $0x7EB8  }
0x205: {  	[hbm4b:s31+s3] =	stream.linear.scatter [tilespmem:s30], [sflag:$0x4], $0x80, $0x38;
	[tilespmem:$0x9D00] =	vst v63  }
.LBB2_13:
0x206: {  	[hbm4b:s28+s3] =	stream.linear.scatter [tilespmem:s26], [sflag:$0x4], $0x80, $0x38;
	[tilespmem:$0x9D00] =	vst v63  }
0x207: {  	s26 =	smov.u32 s23;
	s23 =	smov.u32 s25  }
0x208: {  	s29 =	sadd.s32 $0x1100, s25;
	s23 =	sshra.s32 s23, $0x2;
	s28 =	sadd.s32 $0x7B00, s26  }
0x209: {  	[hbm4b:s24+s3] =	stream.linear.scatter [tilespmem:s28], [sflag:$0x4], $0x80, $0x38;
	[tilespmem:$0x9D00] =	vst v63  }
0x20a: {  	p0 =	sne.s32 s25, $0x7700;
	s25 =	sadd.s32 $0x7B88, s26;
	s28 =	sadd.s32 $0x10, s24  }
0x20b: {  	[hbm4b:s28+s3] =	stream.linear.scatter [tilespmem:s25], [sflag:$0x4], $0x80, $0x38;
	[tilespmem:$0x9D00] =	vst v63  }
0x20c: {  	s25 =	sadd.s32 $0x7C10, s26;
	s28 =	sadd.s32 $0x20, s24  }
0x20d: {  	[hbm4b:s28+s3] =	stream.linear.scatter [tilespmem:s25], [sflag:$0x4], $0x80, $0x38;
	[tilespmem:$0x9D00] =	vst v63  }
0x20e: {  	s25 =	sadd.s32 $0x7C98, s26;
	s28 =	sadd.s32 $0x30, s24  }
0x20f: {  	[hbm4b:s28+s3] =	stream.linear.scatter [tilespmem:s25], [sflag:$0x4], $0x80, $0x38;
	[tilespmem:$0x9D00] =	vst v63  }
0x210: {  	s25 =	sadd.s32 $0x7D20, s26;
	s28 =	sadd.s32 $0x40, s24  }
0x211: {  	[hbm4b:s28+s3] =	stream.linear.scatter [tilespmem:s25], [sflag:$0x4], $0x80, $0x38;
	[tilespmem:$0x9D00] =	vst v63  }
.Ltmp8:
0x212: {  	s25 =	sadd.s32 $0x7DA8, s26;
	s28 =	sadd.s32 $0x50, s24;
	(pc) =	sbr.rel @p0 .LBB2_13-.Ltmp8, $4  }
0x213: {  	[hbm4b:s28+s3] =	stream.linear.scatter [tilespmem:s25], [sflag:$0x4], $0x80, $0x38;
	[tilespmem:$0x9D00] =	vst v63  }
0x214: {  	s25 =	sadd.s32 $0x7E30, s26;
	s28 =	sadd.s32 $0x60, s24;
	s26 =	sadd.s32 $0x7EB8, s26  }
0x215: {  	[hbm4b:s28+s3] =	stream.linear.scatter [tilespmem:s25], [sflag:$0x4], $0x80, $0x38;
	[tilespmem:$0x9D00] =	vst v63  }
0x216: {  	s28 =	sadd.s32 $0x70, s24;
	s24 =	sadd.s32 $0x1000, s24;
	s25 =	smov.u32 s29  }
0x217: {  	[hbm4b:s28+s3] =	stream.linear.scatter [tilespmem:s26], [sflag:$0x4], $0x80, $0x38;
	[tilespmem:$0x9D00] =	vst v63  }
0x218: {  	s25 =	sadd.s32 $0x7B00, s23  }
0x219: {  	[hbm4b:s24+s3] =	stream.linear.scatter [tilespmem:s25], [sflag:$0x4], $0x80, $0x38;
	[tilespmem:$0x9D00] =	vst v63  }
0x21a: {  	s30 =	sadd.s32 $0x7B88, s23;
	s31 =	sadd.s32 $0x10, s24  }
0x21b: {  	[hbm4b:s31+s3] =	stream.linear.scatter [tilespmem:s30], [sflag:$0x4], $0x80, $0x38;
	[tilespmem:$0x9D00] =	vst v63  }
0x21c: {  	s28 =	sadd.s32 $0x7C10, s23;
	s29 =	sadd.s32 $0x20, s24  }
0x21d: {  	[hbm4b:s29+s3] =	stream.linear.scatter [tilespmem:s28], [sflag:$0x4], $0x80, $0x38;
	[tilespmem:$0x9D00] =	vst v63  }
0x21e: {  	s30 =	sadd.s32 $0x7C98, s23;
	s31 =	sadd.s32 $0x30, s24  }
0x21f: {  	[hbm4b:s31+s3] =	stream.linear.scatter [tilespmem:s30], [sflag:$0x4], $0x80, $0x38;
	[tilespmem:$0x9D00] =	vst v63  }
0x220: {  	s28 =	sadd.s32 $0x7D20, s23;
	s29 =	sadd.s32 $0x40, s24  }
0x221: {  	[hbm4b:s29+s3] =	stream.linear.scatter [tilespmem:s28], [sflag:$0x4], $0x80, $0x38;
	[tilespmem:$0x9D00] =	vst v63  }
0x222: {  	p0 =	seq.s32 s21, $0x18;
	s30 =	sadd.s32 $0x7DA8, s23;
	s31 =	sadd.s32 $0x50, s24  }
0x223: {  	[hbm4b:s31+s3] =	stream.linear.scatter [tilespmem:s30], [sflag:$0x4], $0x80, $0x38;
	[tilespmem:$0x9D00] =	vst v63  }
.Ltmp9:
0x224: {  	_ = 	snop;
	(pc) =	sbr.rel @p0 .LBB2_16-.Ltmp9, $4  }
0x225: {  	s28 =	sadd.s32 $0x7E30, s23;
	s29 =	sadd.s32 $0x60, s24  }
0x226: {  	[hbm4b:s29+s3] =	stream.linear.scatter [tilespmem:s28], [sflag:$0x4], $0x80, $0x38;
	[tilespmem:$0x9D00] =	vst v63  }
0x227: {  	s30 =	sadd.s32 $0x7EB8, s23;
	s31 =	sadd.s32 $0x70, s24  }
0x228: {  	[hbm4b:s31+s3] =	stream.linear.scatter [tilespmem:s30], [sflag:$0x4], $0x80, $0x38;
	[tilespmem:$0x9D00] =	vst v63  }
.Ltmp10:
0x229: {  	(pc) =	sbr.rel .LBB2_2-.Ltmp10, $4  }
0x22a: {  	_ = 	snop  }
0x22b: {  	s22 =	sshrl.u32 s22, $0x2  }
0x22c: {  	s21 =	sadd.s32 $0x1, s21;
	s22 =	sadd.s32 $0x180, s22  }
0x22d: {  	[tilespmem:s13], [sflag:$0x2] =	stream.indirect.gather [hbm4b:s4+s9], $0x40, s22, s9, $0xb8;
	[tilespmem:$0x9D00] =	vst v63  }
.LBB2_17:
0x22e: {  	_ =	sfence.sel $0x180000  }
0x22f: {  	[bflag:$0x0] =	sbarrier.arrive $0xFFFF  }
0x230: {  	p0 =	sne.s32 s0, $0x0;
	_ =	strace $0x90000047  }
0x231: {  	s0 =	sadd.s32 @!p0 $0x100000, s1;
	[bflag:$0x2] =	sbarrier.arrive $0xFFFF  }
0x232: {  	[sflag:s0] =	ssyncadd.tile.s32 @!p0 $0x1;
	_ =	shalt  }
.Lfunc_end2:
_tile_overlayer_lowered:
.L_overlay_start_2:
0x233: {  	(tag) =	ssettag $0x2  }
0x234: {  	s0 =	rddreg [dreg:$0x0];
	s2 =	stileid.u32  }
0x235: {  	s1 =	rddreg [dreg:$0x1];
	p0 =	sne.s32 s2, $0x0  }
0x236: {  	s3 =	rddreg [dreg:$0x2];
	[bflag:$0x3] =	sbarrier.arrive $0xFFFF;
	s2 =	simm.s32 @!p0 $0x1C05  }
0x237: {  	[timem:s3], [sflag:s2] =	dma.local @!p0 [hbm:s0], s1  }
0x238: {  	s0 =	simm.s32 @!p0 $0x5  }
0x239: {  	_ =	swait.ge @!p0 [sflag:s0], s1  }
0x23a: {  	s1 =	ssub.s32 @!p0 $0x0, s1;
	[sflag:s0] =	ssyncset.done @!p0 $0x0  }
0x23b: {  	[sflag:s0] =	ssyncadd.s32 @!p0 s1  }
0x23c: {  	[bflag:$0x3] =	sbarrier.arrive $0xFFFF  }
0x23d: {  	_ =	shalt  }

</sc_bundles>
